<compile_context>
chip_gen: v7x
topology: tpu7x:2x2x1
jax: 0.10.2.dev20260603
libtpu: 0.0.44.dev20260713+nightly
codegen_flags: <defaults>
</compile_context>

<pallas_src>
import jax
import jax.numpy as jnp
from jax import lax
from jax.experimental import pallas as pl
from jax.experimental.pallas import tpu as pltpu
from jax.experimental.pallas import tpu_sc as plsc

N_NODES = 10000
D = 128
N_PAD = 10008
E_EDGES = 320000
NW = 32
CS = 128
CH = 79
TE = CS * CH
E_PAD = NW * TE
CH0 = 110
CH1 = 48
CHM = max(CH0, CH1)
ROWS_PER_TILE = 632
NBUF = 3
IDEPTH = 4
KD = 8
DEG_W = 128


def _sc_agg_body(h_hbm, srcg_hbm, dstg_hbm, z128_hbm, acc_out,
                 src_ring, dst_ring, msg, acc_sh, isem, gsem, ssem):
    c = lax.axis_index("c")
    s = lax.axis_index("s")
    wid = s * 2 + c
    chw = jnp.where(c == 0, CH0, CH1)

    row0 = lax.min(s * ROWS_PER_TILE, N_PAD - ROWS_PER_TILE)
    pltpu.sync_copy(z128_hbm.at[pl.ds(row0, ROWS_PER_TILE)],
                    acc_sh.at[pl.ds(row0, ROWS_PER_TILE)])

    plsc.subcore_barrier()

    def mslice(j):
        return msg.at[pl.ds(lax.rem(j, NBUF) * CS, CS)]

    def sslice(j):
        return src_ring.at[pl.ds(lax.rem(j, IDEPTH) * CS, CS)]

    def dslice(j):
        return dst_ring.at[lax.rem(j, IDEPTH)]

    def idx_fetch(j):
        pltpu.async_copy(srcg_hbm.at[wid, j], sslice(j), isem)
        pltpu.async_copy(dstg_hbm.at[wid, j], dslice(j), isem)

    iwait_s = pltpu.make_async_copy(srcg_hbm.at[0, 0],
                                    src_ring.at[pl.ds(0, CS)], isem)
    iwait_d = pltpu.make_async_copy(dstg_hbm.at[0, 0], dst_ring.at[0], isem)
    gwait = pltpu.make_async_copy(h_hbm.at[src_ring.at[pl.ds(0, CS)]],
                                  msg.at[pl.ds(0, CS)], gsem)
    swait = pltpu.make_async_copy(msg.at[pl.ds(0, CS)],
                                  acc_sh.at[dst_ring.at[0]], ssem)

    def iwait_pair():
        iwait_s.wait()
        iwait_d.wait()

    def prologue(b, _):
        idx_fetch(b)
        return 0

    lax.fori_loop(0, IDEPTH - 1, prologue, 0)
    iwait_pair()
    pltpu.async_copy(h_hbm.at[sslice(0)], mslice(0), gsem)
    iwait_pair()
    pltpu.async_copy(h_hbm.at[sslice(1)], mslice(1), gsem)

    def body(j, _):
        @pl.when(j > 0)
        def _():
            swait.wait()

        @pl.when(j + IDEPTH - 1 < chw)
        def _():
            idx_fetch(j + IDEPTH - 1)

        @pl.when(j + 2 < chw)
        def _():
            iwait_pair()
            pltpu.async_copy(h_hbm.at[sslice(j + 2)], mslice(j + 2), gsem)

        gwait.wait()
        pltpu.async_copy(mslice(j), acc_sh.at[dslice(j)], ssem, add=True)
        return 0

    lax.fori_loop(0, chw, body, 0)
    swait.wait()

    plsc.subcore_barrier()

    pltpu.sync_copy(acc_sh.at[pl.ds(row0, ROWS_PER_TILE)],
                    acc_out.at[c, pl.ds(row0, ROWS_PER_TILE)])


_sc_agg = pl.kernel(
    _sc_agg_body,
    out_type=jax.ShapeDtypeStruct((2, N_PAD, D), jnp.float32),
    mesh=plsc.VectorSubcoreMesh(core_axis_name="c", subcore_axis_name="s"),
    scratch_types=[
        pltpu.VMEM((IDEPTH * CS,), jnp.int32),
        pltpu.VMEM((IDEPTH, CS), jnp.int32),
        pltpu.VMEM((NBUF * CS, D), jnp.float32),
        pltpu.VMEM_SHARED((N_PAD, D), jnp.float32),
        pltpu.SemaphoreType.DMA,
        pltpu.SemaphoreType.DMA,
        pltpu.SemaphoreType.DMA,
    ],
)


def _sc_deg_body(dstg_hbm, zdeg_hbm, ones_hbm, deg_out, dst_idx, ones_v,
                 deg_sh, dsem):
    c = lax.axis_index("c")
    s = lax.axis_index("s")
    wid = s * 2 + c

    row0 = lax.min(s * ROWS_PER_TILE, N_PAD - ROWS_PER_TILE)
    pltpu.sync_copy(zdeg_hbm.at[pl.ds(row0, ROWS_PER_TILE)],
                    deg_sh.at[pl.ds(row0, ROWS_PER_TILE)])
    pltpu.sync_copy(dstg_hbm.at[wid], dst_idx)
    pltpu.sync_copy(ones_hbm, ones_v)

    plsc.subcore_barrier()

    dwait = pltpu.make_async_copy(ones_v, deg_sh.at[dst_idx.at[0]], dsem)

    def body(j, _):
        @pl.when(j >= KD)
        def _():
            dwait.wait()
        pltpu.async_copy(ones_v, deg_sh.at[dst_idx.at[j]], dsem, add=True)
        return 0

    lax.fori_loop(0, CH, body, 0)

    def drain(j, _):
        dwait.wait()
        return 0

    lax.fori_loop(0, min(KD, CH), drain, 0)

    plsc.subcore_barrier()

    pltpu.sync_copy(deg_sh.at[pl.ds(row0, ROWS_PER_TILE)],
                    deg_out.at[c, pl.ds(row0, ROWS_PER_TILE)])


_sc_deg = pl.kernel(
    _sc_deg_body,
    out_type=jax.ShapeDtypeStruct((2, N_PAD, DEG_W), jnp.float32),
    mesh=plsc.VectorSubcoreMesh(core_axis_name="c", subcore_axis_name="s"),
    scratch_types=[
        pltpu.VMEM((CH, CS), jnp.int32),
        pltpu.VMEM((CS, DEG_W), jnp.float32),
        pltpu.VMEM_SHARED((N_PAD, DEG_W), jnp.float32),
        pltpu.SemaphoreType.DMA,
    ],
)

ROW_BLK = 1000


def _tc_layer_body(acc_ref, deg_ref, x_ref, wl_ref, bl_ref, wr_ref, out_ref):
    a = acc_ref[0] + acc_ref[1]
    d = deg_ref[0, :, 0:1] + deg_ref[1, :, 0:1]
    agg = a / jnp.maximum(d, 1.0)
    z = (jnp.dot(agg, wl_ref[...], preferred_element_type=jnp.float32)
         + bl_ref[...]
         + jnp.dot(x_ref[...], wr_ref[...], preferred_element_type=jnp.float32))
    out_ref[...] = jnp.maximum(z, 0.0)


def _tc_final_body(acc_ref, deg_ref, x_ref, wl_ref, bl_ref, wr_ref, wo_ref,
                   bo_ref, out_ref):
    a = acc_ref[0] + acc_ref[1]
    d = deg_ref[0, :, 0:1] + deg_ref[1, :, 0:1]
    agg = a / jnp.maximum(d, 1.0)
    z = (jnp.dot(agg, wl_ref[...], preferred_element_type=jnp.float32)
         + bl_ref[...]
         + jnp.dot(x_ref[...], wr_ref[...], preferred_element_type=jnp.float32))
    h = jnp.maximum(z, 0.0)
    out_ref[...] = (jnp.dot(h, wo_ref[...], preferred_element_type=jnp.float32)
                    + bo_ref[...])


def _tc_layer(acc, deg, x, wl, bl, wr):
    grid = N_NODES // ROW_BLK
    return pl.pallas_call(
        _tc_layer_body,
        grid=(grid,),
        in_specs=[
            pl.BlockSpec((2, ROW_BLK, D), lambda i: (0, i, 0)),
            pl.BlockSpec((2, ROW_BLK, DEG_W), lambda i: (0, i, 0)),
            pl.BlockSpec((ROW_BLK, D), lambda i: (i, 0)),
            pl.BlockSpec((D, D), lambda i: (0, 0)),
            pl.BlockSpec((1, D), lambda i: (0, 0)),
            pl.BlockSpec((D, D), lambda i: (0, 0)),
        ],
        out_specs=pl.BlockSpec((ROW_BLK, D), lambda i: (i, 0)),
        out_shape=jax.ShapeDtypeStruct((N_NODES, D), jnp.float32),
    )(acc, deg, x, wl, bl.reshape(1, D), wr)


def _tc_final(acc, deg, x, wl, bl, wr, wo, bo):
    grid = N_NODES // ROW_BLK
    return pl.pallas_call(
        _tc_final_body,
        grid=(grid,),
        in_specs=[
            pl.BlockSpec((2, ROW_BLK, D), lambda i: (0, i, 0)),
            pl.BlockSpec((2, ROW_BLK, DEG_W), lambda i: (0, i, 0)),
            pl.BlockSpec((ROW_BLK, D), lambda i: (i, 0)),
            pl.BlockSpec((D, D), lambda i: (0, 0)),
            pl.BlockSpec((1, D), lambda i: (0, 0)),
            pl.BlockSpec((D, D), lambda i: (0, 0)),
            pl.BlockSpec((D, 1), lambda i: (0, 0)),
            pl.BlockSpec((1, 1), lambda i: (0, 0)),
        ],
        out_specs=pl.BlockSpec((ROW_BLK, 1), lambda i: (i, 0)),
        out_shape=jax.ShapeDtypeStruct((N_NODES, 1), jnp.float32),
    )(acc, deg, x, wl, bl.reshape(1, D), wr, wo, bo.reshape(1, 1))


def _pack_agg(v, fill):
    lens = [CS * (CH0 if (w % 2) == 0 else CH1) for w in range(NW)]
    offs = [0]
    for n in lens:
        offs.append(offs[-1] + n)
    rows = []
    for w in range(NW):
        seg = v[offs[w]:offs[w + 1]]
        if lens[w] < CHM * CS:
            seg = jnp.concatenate(
                [seg, jnp.full((CHM * CS - lens[w],), fill, jnp.int32)])
        rows.append(seg)
    return jnp.stack(rows).reshape(NW, CHM, CS)


def kernel(x, edge_index, Wl1, bl1, Wr1, Wl2, bl2, Wr2, Wo, bo):
    src = edge_index[0].astype(jnp.int32)
    dst = edge_index[1].astype(jnp.int32)
    pad = E_PAD - E_EDGES
    srcp = jnp.concatenate([src, jnp.zeros((pad,), jnp.int32)])
    dstp = jnp.concatenate([dst, jnp.full((pad,), N_NODES, jnp.int32)])
    srcg = _pack_agg(srcp, 0)
    dstg = _pack_agg(dstp, N_NODES)
    dstg_deg = dstp.reshape(NW, CH, CS)
    z128 = jnp.zeros((N_PAD, D), jnp.float32)

    ones16 = jnp.ones((CS, DEG_W), jnp.float32)
    zdeg = jnp.zeros((N_PAD, DEG_W), jnp.float32)
    deg = _sc_deg(dstg_deg, zdeg, ones16)
    acc1 = _sc_agg(x, srcg, dstg, z128)
    h1 = _tc_layer(acc1, deg, x, Wl1, bl1, Wr1)
    acc2 = _sc_agg(h1, srcg, dstg, z128)
    out = _tc_final(acc2, deg, h1, Wl2, bl2, Wr2, Wo, bo)
    return out[:, 0]

# --- scband reference (transcript-rebuilt; emitter-appended) ---
"""Pipeline reference for scband-sagenode-regressor-11888469475716 (READ-ONLY COPY).

The authoritative reference and input builder live on the scoring server;
editing this copy changes nothing except your own understanding.
"""

import jax, jax.numpy as jnp
import numpy as np

N_NODES = 10000
N_EDGES = 320000
D_IN = 128
D_HID = 128


def setup_inputs(seed: int = 0) -> dict:
    key = jax.random.key(seed)
    ks = jax.random.split(key, 12)
    x = jax.random.normal(ks[0], (N_NODES, D_IN), dtype=jnp.float32)
    edge_index = jax.random.randint(ks[1], (2, N_EDGES), 0, N_NODES, dtype=jnp.int64) if jax.config.jax_enable_x64 else jax.random.randint(ks[1], (2, N_EDGES), 0, N_NODES, dtype=jnp.int32)
    s1 = 1.0 / np.sqrt(D_IN)
    s2 = 1.0 / np.sqrt(D_HID)
    Wl1 = jax.random.uniform(ks[2], (D_IN, D_HID), jnp.float32, -s1, s1)
    bl1 = jax.random.uniform(ks[3], (D_HID,), jnp.float32, -s1, s1)
    Wr1 = jax.random.uniform(ks[4], (D_IN, D_HID), jnp.float32, -s1, s1)
    Wl2 = jax.random.uniform(ks[5], (D_HID, D_HID), jnp.float32, -s2, s2)
    bl2 = jax.random.uniform(ks[6], (D_HID,), jnp.float32, -s2, s2)
    Wr2 = jax.random.uniform(ks[7], (D_HID, D_HID), jnp.float32, -s2, s2)
    Wo = jax.random.uniform(ks[8], (D_HID, 1), jnp.float32, -s2, s2)
    bo = jax.random.uniform(ks[9], (1,), jnp.float32, -s2, s2)
    return {"x": x, "edge_index": edge_index, "Wl1": Wl1, "bl1": bl1, "Wr1": Wr1, "Wl2": Wl2, "bl2": bl2, "Wr2": Wr2, "Wo": Wo, "bo": bo}


def _sage_conv(h, src, dst, Wl, bl, Wr):
    # PyG SAGEConv with mean aggregation: lin_l(mean_agg(x_j)) + lin_r(x)
    msg = jnp.take(h, src, axis=0)
    agg = jax.ops.segment_sum(msg, dst, num_segments=h.shape[0])
    deg = jax.ops.segment_sum(jnp.ones((src.shape[0],), dtype=h.dtype), dst, num_segments=h.shape[0])
    agg = agg / jnp.maximum(deg, 1.0)[:, None]
    return agg @ Wl + bl + h @ Wr


def reference(x, edge_index, Wl1, bl1, Wr1, Wl2, bl2, Wr2, Wo, bo):
    src = edge_index[0]
    dst = edge_index[1]
    h = _sage_conv(x, src, dst, Wl1, bl1, Wr1)
    h = jnp.maximum(h, 0.0)  # relu; dropout p=0.0 is identity
    h = _sage_conv(h, src, dst, Wl2, bl2, Wr2)
    h = jnp.maximum(h, 0.0)
    out = h @ Wo + bo
    return out.squeeze(-1)

if __name__ == "__main__":
    import jax
    _d = setup_inputs()
    print(jax.jit(kernel)(*tuple(_d.values())))

</pallas_src>

<mosaic_0001>
#map = affine_map<(d0, d1) -> (0, 0, 0)>
#map1 = affine_map<(d0, d1) -> (0, 0)>
module attributes {stable_mosaic.version = 14 : i64} {
  func.func @_sc_deg_body(%arg0: i32, %arg1: i32, %arg2: memref<32x79x128xi32, #tpu.memory_space<hbm>>, %arg3: memref<10008x128xf32, #tpu.memory_space<hbm>>, %arg4: memref<128x128xf32, #tpu.memory_space<hbm>>, %arg5: memref<2x10008x128xf32, #tpu.memory_space<hbm>>, %arg6: memref<79x128xi32, #tpu.memory_space<vmem>>, %arg7: memref<128x128xf32, #tpu.memory_space<vmem>>, %arg8: memref<10008x128xf32, #tpu.memory_space<vmem_shared>>, %arg9: memref<!tpu.dma_semaphore, #tpu.memory_space<semaphore_mem>>) attributes {dimension_semantics = [#tpu.dimension_semantics<core_parallel>, #tpu.dimension_semantics<subcore_parallel>], iteration_bounds = array<i64: 2, 16>, scalar_prefetch = 0 : i64, scratch_operands = 4 : i64, tpu.core_type = #tpu.core_type<sc_vector_subcore>, window_params = [{transform_indices = #map}, {transform_indices = #map1}, {transform_indices = #map1}, {transform_indices = #map}]} {
    %mul3A = arith.constant 2 : i32
    %mul3A_0 = arith.muli %arg1, %mul3A : i32
    %add3A = arith.addi %mul3A_0, %arg0 : i32
    %mul3A_1 = arith.constant 632 : i32
    %mul3A_2 = arith.muli %arg1, %mul3A_1 : i32
    %min3A = arith.constant 9376 : i32
    %min3A_3 = arith.minsi %mul3A_2, %min3A : i32
    "tpu.region"() ({
      %run_scoped3A = tpu.sem_alloc : memref<!tpu.dma_semaphore, #tpu.memory_space<semaphore_mem>>
      %dma_start3A = arith.constant 0 : i32
      %dma_start3A_20 = tpu.memref_slice %arg8[%min3A_3, %dma_start3A] : memref<10008x128xf32, #tpu.memory_space<vmem_shared>> -> memref<632x128xf32, #tpu.memory_space<vmem_shared>>
      %dma_start3A_21 = arith.constant 0 : i32
      %dma_start3A_22 = tpu.memref_slice %arg3[%min3A_3, %dma_start3A_21] : memref<10008x128xf32, #tpu.memory_space<hbm>> -> memref<632x128xf32, #tpu.memory_space<hbm>>
      tpu.enqueue_dma source(%dma_start3A_22 : memref<632x128xf32, #tpu.memory_space<hbm>>) target(%dma_start3A_20 : memref<632x128xf32, #tpu.memory_space<vmem_shared>>) target_semaphore(%run_scoped3A : memref<!tpu.dma_semaphore, #tpu.memory_space<semaphore_mem>>)
      %dma_wait3A = arith.constant 0 : i32
      %dma_wait3A_23 = tpu.memref_slice %arg8[%min3A_3, %dma_wait3A] : memref<10008x128xf32, #tpu.memory_space<vmem_shared>> -> memref<632x128xf32, #tpu.memory_space<vmem_shared>>
      %dma_wait3A_24 = arith.constant 0 : i32
      %dma_wait3A_25 = tpu.memref_slice %arg3[%min3A_3, %dma_wait3A_24] : memref<10008x128xf32, #tpu.memory_space<hbm>> -> memref<632x128xf32, #tpu.memory_space<hbm>>
      tpu.wait_dma2 semaphore(%run_scoped3A : memref<!tpu.dma_semaphore, #tpu.memory_space<semaphore_mem>>) src(%dma_wait3A_25 : memref<632x128xf32, #tpu.memory_space<hbm>>) dst(%dma_wait3A_23 : memref<632x128xf32, #tpu.memory_space<vmem_shared>>)
      tpu.yield
    }) : () -> ()
    "tpu.region"() ({
      %run_scoped3A = tpu.sem_alloc : memref<!tpu.dma_semaphore, #tpu.memory_space<semaphore_mem>>
      %dma_start3A = arith.constant 0 : i32
      %dma_start3A_20 = arith.constant 0 : i32
      %dma_start3A_21 = tpu.memref_slice %arg2[%add3A, %dma_start3A, %dma_start3A_20] : memref<32x79x128xi32, #tpu.memory_space<hbm>> -> memref<1x79x128xi32, #tpu.memory_space<hbm>>
      %dma_start3A_22 = tpu.memref_squeeze %dma_start3A_21 : memref<1x79x128xi32, #tpu.memory_space<hbm>> -> memref<79x128xi32, #tpu.memory_space<hbm>>
      %dma_start3A_23 = arith.constant 0 : i32
      %dma_start3A_24 = arith.constant 0 : i32
      %dma_start3A_25 = tpu.memref_slice %arg2[%add3A, %dma_start3A_23, %dma_start3A_24] : memref<32x79x128xi32, #tpu.memory_space<hbm>> -> memref<1x79x128xi32, #tpu.memory_space<hbm>>
      %dma_start3A_26 = tpu.memref_squeeze %dma_start3A_25 : memref<1x79x128xi32, #tpu.memory_space<hbm>> -> memref<79x128xi32, #tpu.memory_space<hbm>>
      tpu.enqueue_dma source(%dma_start3A_26 : memref<79x128xi32, #tpu.memory_space<hbm>>) target(%arg6 : memref<79x128xi32, #tpu.memory_space<vmem>>) target_semaphore(%run_scoped3A : memref<!tpu.dma_semaphore, #tpu.memory_space<semaphore_mem>>)
      %dma_wait3A = arith.constant 0 : i32
      %dma_wait3A_27 = arith.constant 0 : i32
      %dma_wait3A_28 = tpu.memref_slice %arg2[%add3A, %dma_wait3A, %dma_wait3A_27] : memref<32x79x128xi32, #tpu.memory_space<hbm>> -> memref<1x79x128xi32, #tpu.memory_space<hbm>>
      %dma_wait3A_29 = tpu.memref_squeeze %dma_wait3A_28 : memref<1x79x128xi32, #tpu.memory_space<hbm>> -> memref<79x128xi32, #tpu.memory_space<hbm>>
      %dma_wait3A_30 = arith.constant 0 : i32
      %dma_wait3A_31 = arith.constant 0 : i32
      %dma_wait3A_32 = tpu.memref_slice %arg2[%add3A, %dma_wait3A_30, %dma_wait3A_31] : memref<32x79x128xi32, #tpu.memory_space<hbm>> -> memref<1x79x128xi32, #tpu.memory_space<hbm>>
      %dma_wait3A_33 = tpu.memref_squeeze %dma_wait3A_32 : memref<1x79x128xi32, #tpu.memory_space<hbm>> -> memref<79x128xi32, #tpu.memory_space<hbm>>
      tpu.wait_dma2 semaphore(%run_scoped3A : memref<!tpu.dma_semaphore, #tpu.memory_space<semaphore_mem>>) src(%dma_wait3A_33 : memref<79x128xi32, #tpu.memory_space<hbm>>) dst(%arg6 : memref<79x128xi32, #tpu.memory_space<vmem>>)
      tpu.yield
    }) : () -> ()
    "tpu.region"() ({
      %run_scoped3A = tpu.sem_alloc : memref<!tpu.dma_semaphore, #tpu.memory_space<semaphore_mem>>
      tpu.enqueue_dma source(%arg4 : memref<128x128xf32, #tpu.memory_space<hbm>>) target(%arg7 : memref<128x128xf32, #tpu.memory_space<vmem>>) target_semaphore(%run_scoped3A : memref<!tpu.dma_semaphore, #tpu.memory_space<semaphore_mem>>)
      tpu.wait_dma2 semaphore(%run_scoped3A : memref<!tpu.dma_semaphore, #tpu.memory_space<semaphore_mem>>) src(%arg4 : memref<128x128xf32, #tpu.memory_space<hbm>>) dst(%arg7 : memref<128x128xf32, #tpu.memory_space<vmem>>)
      tpu.yield
    }) : () -> ()
    %barrier3A = arith.constant 0 : index
    tpu.barrier barrier_id(%barrier3A)
    %scan3A = arith.constant 0 : i32
    %scan3A_4 = arith.constant 0 : i32
    %scan3A_5 = arith.constant 0 : i32
    %scan3A_6 = arith.constant 79 : i32
    %scan3A_7 = arith.addi %scan3A_5, %scan3A_6 : i32
    %scan3A_8 = arith.constant 1 : i32
    %scan3A_9 = scf.for %scan3A_20 = %scan3A_5 to %scan3A_7 step %scan3A_8 iter_args(%scan3A_21 = %scan3A_4) -> (i32)  : i32 {
      %ge3A = arith.constant 8 : i32
      %ge3A_22 = arith.cmpi sge, %scan3A_20, %ge3A : i32
      %convert_element_type3A = arith.extui %ge3A_22 : i1 to i32
      %cond3A = arith.constant 0 : i32
      %cond3A_23 = arith.cmpi ne, %convert_element_type3A, %cond3A : i32
      scf.if %cond3A_23 {
        %dma_wait3A = arith.constant 0 : i32
        %dma_wait3A_30 = tpu.memref_slice %arg6[%scan3A, %dma_wait3A] : memref<79x128xi32, #tpu.memory_space<vmem>> -> memref<1x128xi32, #tpu.memory_space<vmem>>
        %dma_wait3A_31 = tpu.memref_squeeze %dma_wait3A_30 : memref<1x128xi32, #tpu.memory_space<vmem>> -> memref<128xi32, #tpu.memory_space<vmem>>
        %dma_wait3A_32 = arith.constant 0 : i32
        %dma_wait3A_33 = arith.constant 0 : i32
        %dma_wait3A_34 = tpu.memref_slice %arg8[%dma_wait3A_32, %dma_wait3A_33] : memref<10008x128xf32, #tpu.memory_space<vmem_shared>> -> memref<10008x128xf32, #tpu.memory_space<vmem_shared>>
        tpu.wait_indirect_dma semaphore(%arg9 : memref<!tpu.dma_semaphore, #tpu.memory_space<semaphore_mem>>) src(%arg7 : memref<128x128xf32, #tpu.memory_space<vmem>>) dst(%dma_wait3A_34 : memref<10008x128xf32, #tpu.memory_space<vmem_shared>>)
      } else {
      }
      %dma_start3A = arith.constant 0 : i32
      %dma_start3A_24 = tpu.memref_slice %arg6[%scan3A_20, %dma_start3A] : memref<79x128xi32, #tpu.memory_space<vmem>> -> memref<1x128xi32, #tpu.memory_space<vmem>>
      %dma_start3A_25 = tpu.memref_squeeze %dma_start3A_24 : memref<1x128xi32, #tpu.memory_space<vmem>> -> memref<128xi32, #tpu.memory_space<vmem>>
      %dma_start3A_26 = arith.constant 0 : i32
      %dma_start3A_27 = arith.constant 0 : i32
      %dma_start3A_28 = tpu.memref_slice %arg8[%dma_start3A_26, %dma_start3A_27] : memref<10008x128xf32, #tpu.memory_space<vmem_shared>> -> memref<10008x128xf32, #tpu.memory_space<vmem_shared>>
      tpu.enqueue_indirect_dma source(%arg7 : memref<128x128xf32, #tpu.memory_space<vmem>>) target(%dma_start3A_28 : memref<10008x128xf32, #tpu.memory_space<vmem_shared>>) offsets(%dma_start3A_25 : memref<128xi32, #tpu.memory_space<vmem>>) semaphore(%arg9 : memref<!tpu.dma_semaphore, #tpu.memory_space<semaphore_mem>>) {add = true}
      %scan3A_29 = arith.constant 0 : i32
      scf.yield %scan3A_29 : i32
    }
    %scan3A_10 = arith.constant 79 : i32
    %scan3A_11 = arith.constant 0 : i32
    %scan3A_12 = arith.constant 0 : i32
    %scan3A_13 = arith.constant 0 : i32
    %scan3A_14 = arith.constant 8 : i32
    %scan3A_15 = arith.addi %scan3A_13, %scan3A_14 : i32
    %scan3A_16 = arith.constant 1 : i32
    %scan3A_17 = scf.for %scan3A_20 = %scan3A_13 to %scan3A_15 step %scan3A_16 iter_args(%scan3A_21 = %scan3A_12) -> (i32)  : i32 {
      %dma_wait3A = arith.constant 0 : i32
      %dma_wait3A_22 = tpu.memref_slice %arg6[%scan3A_11, %dma_wait3A] : memref<79x128xi32, #tpu.memory_space<vmem>> -> memref<1x128xi32, #tpu.memory_space<vmem>>
      %dma_wait3A_23 = tpu.memref_squeeze %dma_wait3A_22 : memref<1x128xi32, #tpu.memory_space<vmem>> -> memref<128xi32, #tpu.memory_space<vmem>>
      %dma_wait3A_24 = arith.constant 0 : i32
      %dma_wait3A_25 = arith.constant 0 : i32
      %dma_wait3A_26 = tpu.memref_slice %arg8[%dma_wait3A_24, %dma_wait3A_25] : memref<10008x128xf32, #tpu.memory_space<vmem_shared>> -> memref<10008x128xf32, #tpu.memory_space<vmem_shared>>
      tpu.wait_indirect_dma semaphore(%arg9 : memref<!tpu.dma_semaphore, #tpu.memory_space<semaphore_mem>>) src(%arg7 : memref<128x128xf32, #tpu.memory_space<vmem>>) dst(%dma_wait3A_26 : memref<10008x128xf32, #tpu.memory_space<vmem_shared>>)
      %scan3A_27 = arith.constant 0 : i32
      scf.yield %scan3A_27 : i32
    }
    %scan3A_18 = arith.constant 8 : i32
    %barrier3A_19 = arith.constant 0 : index
    tpu.barrier barrier_id(%barrier3A_19)
    "tpu.region"() ({
      %run_scoped3A = tpu.sem_alloc : memref<!tpu.dma_semaphore, #tpu.memory_space<semaphore_mem>>
      %dma_start3A = arith.constant 0 : i32
      %dma_start3A_20 = tpu.memref_slice %arg5[%arg0, %min3A_3, %dma_start3A] : memref<2x10008x128xf32, #tpu.memory_space<hbm>> -> memref<1x632x128xf32, #tpu.memory_space<hbm>>
      %dma_start3A_21 = tpu.memref_squeeze %dma_start3A_20 : memref<1x632x128xf32, #tpu.memory_space<hbm>> -> memref<632x128xf32, #tpu.memory_space<hbm>>
      %dma_start3A_22 = arith.constant 0 : i32
      %dma_start3A_23 = tpu.memref_slice %arg8[%min3A_3, %dma_start3A_22] : memref<10008x128xf32, #tpu.memory_space<vmem_shared>> -> memref<632x128xf32, #tpu.memory_space<vmem_shared>>
      tpu.enqueue_dma source(%dma_start3A_23 : memref<632x128xf32, #tpu.memory_space<vmem_shared>>) target(%dma_start3A_21 : memref<632x128xf32, #tpu.memory_space<hbm>>) target_semaphore(%run_scoped3A : memref<!tpu.dma_semaphore, #tpu.memory_space<semaphore_mem>>)
      %dma_wait3A = arith.constant 0 : i32
      %dma_wait3A_24 = tpu.memref_slice %arg5[%arg0, %min3A_3, %dma_wait3A] : memref<2x10008x128xf32, #tpu.memory_space<hbm>> -> memref<1x632x128xf32, #tpu.memory_space<hbm>>
      %dma_wait3A_25 = tpu.memref_squeeze %dma_wait3A_24 : memref<1x632x128xf32, #tpu.memory_space<hbm>> -> memref<632x128xf32, #tpu.memory_space<hbm>>
      %dma_wait3A_26 = arith.constant 0 : i32
      %dma_wait3A_27 = tpu.memref_slice %arg8[%min3A_3, %dma_wait3A_26] : memref<10008x128xf32, #tpu.memory_space<vmem_shared>> -> memref<632x128xf32, #tpu.memory_space<vmem_shared>>
      tpu.wait_dma2 semaphore(%run_scoped3A : memref<!tpu.dma_semaphore, #tpu.memory_space<semaphore_mem>>) src(%dma_wait3A_27 : memref<632x128xf32, #tpu.memory_space<vmem_shared>>) dst(%dma_wait3A_25 : memref<632x128xf32, #tpu.memory_space<hbm>>)
      tpu.yield
    }) : () -> ()
    return
  }
}

#map = affine_map<(d0, d1) -> (0, 0)>
#map1 = affine_map<(d0, d1) -> (0, 0, 0)>
module attributes {stable_mosaic.version = 14 : i64} {
  func.func @_sc_agg_body(%arg0: i32, %arg1: i32, %arg2: memref<10000x128xf32, #tpu.memory_space<hbm>>, %arg3: memref<32x110x128xi32, #tpu.memory_space<hbm>>, %arg4: memref<32x110x128xi32, #tpu.memory_space<hbm>>, %arg5: memref<10008x128xf32, #tpu.memory_space<hbm>>, %arg6: memref<2x10008x128xf32, #tpu.memory_space<hbm>>, %arg7: memref<512xi32, #tpu.memory_space<vmem>>, %arg8: memref<4x128xi32, #tpu.memory_space<vmem>>, %arg9: memref<384x128xf32, #tpu.memory_space<vmem>>, %arg10: memref<10008x128xf32, #tpu.memory_space<vmem_shared>>, %arg11: memref<!tpu.dma_semaphore, #tpu.memory_space<semaphore_mem>>, %arg12: memref<!tpu.dma_semaphore, #tpu.memory_space<semaphore_mem>>, %arg13: memref<!tpu.dma_semaphore, #tpu.memory_space<semaphore_mem>>) attributes {dimension_semantics = [#tpu.dimension_semantics<core_parallel>, #tpu.dimension_semantics<subcore_parallel>], iteration_bounds = array<i64: 2, 16>, scalar_prefetch = 0 : i64, scratch_operands = 7 : i64, tpu.core_type = #tpu.core_type<sc_vector_subcore>, window_params = [{transform_indices = #map}, {transform_indices = #map1}, {transform_indices = #map1}, {transform_indices = #map}, {transform_indices = #map1}]} {
    %mul3A = arith.constant 2 : i32
    %mul3A_0 = arith.muli %arg1, %mul3A : i32
    %add3A = arith.addi %mul3A_0, %arg0 : i32
    %eq3A = arith.constant 0 : i32
    %eq3A_1 = arith.cmpi eq, %arg0, %eq3A : i32
    %jit3A = arith.constant 110 : i32
    %jit3A_2 = arith.constant 48 : i32
    %select_n3A = arith.select %eq3A_1, %jit3A, %jit3A_2 : i32
    %mul3A_3 = arith.constant 632 : i32
    %mul3A_4 = arith.muli %arg1, %mul3A_3 : i32
    %min3A = arith.constant 9376 : i32
    %min3A_5 = arith.minsi %mul3A_4, %min3A : i32
    "tpu.region"() ({
      %run_scoped3A = tpu.sem_alloc : memref<!tpu.dma_semaphore, #tpu.memory_space<semaphore_mem>>
      %dma_start3A_123 = arith.constant 0 : i32
      %dma_start3A_124 = tpu.memref_slice %arg10[%min3A_5, %dma_start3A_123] : memref<10008x128xf32, #tpu.memory_space<vmem_shared>> -> memref<632x128xf32, #tpu.memory_space<vmem_shared>>
      %dma_start3A_125 = arith.constant 0 : i32
      %dma_start3A_126 = tpu.memref_slice %arg5[%min3A_5, %dma_start3A_125] : memref<10008x128xf32, #tpu.memory_space<hbm>> -> memref<632x128xf32, #tpu.memory_space<hbm>>
      tpu.enqueue_dma source(%dma_start3A_126 : memref<632x128xf32, #tpu.memory_space<hbm>>) target(%dma_start3A_124 : memref<632x128xf32, #tpu.memory_space<vmem_shared>>) target_semaphore(%run_scoped3A : memref<!tpu.dma_semaphore, #tpu.memory_space<semaphore_mem>>)
      %dma_wait3A_127 = arith.constant 0 : i32
      %dma_wait3A_128 = tpu.memref_slice %arg10[%min3A_5, %dma_wait3A_127] : memref<10008x128xf32, #tpu.memory_space<vmem_shared>> -> memref<632x128xf32, #tpu.memory_space<vmem_shared>>
      %dma_wait3A_129 = arith.constant 0 : i32
      %dma_wait3A_130 = tpu.memref_slice %arg5[%min3A_5, %dma_wait3A_129] : memref<10008x128xf32, #tpu.memory_space<hbm>> -> memref<632x128xf32, #tpu.memory_space<hbm>>
      tpu.wait_dma2 semaphore(%run_scoped3A : memref<!tpu.dma_semaphore, #tpu.memory_space<semaphore_mem>>) src(%dma_wait3A_130 : memref<632x128xf32, #tpu.memory_space<hbm>>) dst(%dma_wait3A_128 : memref<632x128xf32, #tpu.memory_space<vmem_shared>>)
      tpu.yield
    }) : () -> ()
    %barrier3A = arith.constant 0 : index
    tpu.barrier barrier_id(%barrier3A)
    %scan3A = arith.constant 0 : i32
    %scan3A_6 = arith.constant 0 : i32
    %scan3A_7 = arith.constant 3 : i32
    %scan3A_8 = arith.addi %scan3A_6, %scan3A_7 : i32
    %scan3A_9 = arith.constant 1 : i32
    %scan3A_10 = scf.for %scan3A_123 = %scan3A_6 to %scan3A_8 step %scan3A_9 iter_args(%scan3A_124 = %scan3A) -> (i32)  : i32 {
      %rem3A_125 = arith.constant 4 : i32
      %rem3A_126 = arith.remsi %scan3A_123, %rem3A_125 : i32
      %mul3A_127 = arith.constant 128 : i32
      %mul3A_128 = arith.muli %rem3A_126, %mul3A_127 : i32
      %dma_start3A_129 = tpu.memref_slice %arg7[%mul3A_128] : memref<512xi32, #tpu.memory_space<vmem>> -> memref<128xi32, #tpu.memory_space<vmem>>
      %dma_start3A_130 = arith.constant 0 : i32
      %dma_start3A_131 = tpu.memref_slice %arg3[%add3A, %scan3A_123, %dma_start3A_130] : memref<32x110x128xi32, #tpu.memory_space<hbm>> -> memref<1x1x128xi32, #tpu.memory_space<hbm>>
      %dma_start3A_132 = tpu.memref_squeeze %dma_start3A_131 : memref<1x1x128xi32, #tpu.memory_space<hbm>> -> memref<128xi32, #tpu.memory_space<hbm>>
      %dma_start3A_133 = tpu.memref_slice %arg7[%mul3A_128] : memref<512xi32, #tpu.memory_space<vmem>> -> memref<128xi32, #tpu.memory_space<vmem>>
      %dma_start3A_134 = arith.constant 0 : i32
      %dma_start3A_135 = tpu.memref_slice %arg3[%add3A, %scan3A_123, %dma_start3A_134] : memref<32x110x128xi32, #tpu.memory_space<hbm>> -> memref<1x1x128xi32, #tpu.memory_space<hbm>>
      %dma_start3A_136 = tpu.memref_squeeze %dma_start3A_135 : memref<1x1x128xi32, #tpu.memory_space<hbm>> -> memref<128xi32, #tpu.memory_space<hbm>>
      tpu.enqueue_dma source(%dma_start3A_136 : memref<128xi32, #tpu.memory_space<hbm>>) target(%dma_start3A_133 : memref<128xi32, #tpu.memory_space<vmem>>) target_semaphore(%arg11 : memref<!tpu.dma_semaphore, #tpu.memory_space<semaphore_mem>>)
      %rem3A_137 = arith.constant 4 : i32
      %rem3A_138 = arith.remsi %scan3A_123, %rem3A_137 : i32
      %dma_start3A_139 = arith.constant 0 : i32
      %dma_start3A_140 = tpu.memref_slice %arg8[%rem3A_138, %dma_start3A_139] : memref<4x128xi32, #tpu.memory_space<vmem>> -> memref<1x128xi32, #tpu.memory_space<vmem>>
      %dma_start3A_141 = tpu.memref_squeeze %dma_start3A_140 : memref<1x128xi32, #tpu.memory_space<vmem>> -> memref<128xi32, #tpu.memory_space<vmem>>
      %dma_start3A_142 = arith.constant 0 : i32
      %dma_start3A_143 = tpu.memref_slice %arg4[%add3A, %scan3A_123, %dma_start3A_142] : memref<32x110x128xi32, #tpu.memory_space<hbm>> -> memref<1x1x128xi32, #tpu.memory_space<hbm>>
      %dma_start3A_144 = tpu.memref_squeeze %dma_start3A_143 : memref<1x1x128xi32, #tpu.memory_space<hbm>> -> memref<128xi32, #tpu.memory_space<hbm>>
      %dma_start3A_145 = arith.constant 0 : i32
      %dma_start3A_146 = tpu.memref_slice %arg8[%rem3A_138, %dma_start3A_145] : memref<4x128xi32, #tpu.memory_space<vmem>> -> memref<1x128xi32, #tpu.memory_space<vmem>>
      %dma_start3A_147 = tpu.memref_squeeze %dma_start3A_146 : memref<1x128xi32, #tpu.memory_space<vmem>> -> memref<128xi32, #tpu.memory_space<vmem>>
      %dma_start3A_148 = arith.constant 0 : i32
      %dma_start3A_149 = tpu.memref_slice %arg4[%add3A, %scan3A_123, %dma_start3A_148] : memref<32x110x128xi32, #tpu.memory_space<hbm>> -> memref<1x1x128xi32, #tpu.memory_space<hbm>>
      %dma_start3A_150 = tpu.memref_squeeze %dma_start3A_149 : memref<1x1x128xi32, #tpu.memory_space<hbm>> -> memref<128xi32, #tpu.memory_space<hbm>>
      tpu.enqueue_dma source(%dma_start3A_150 : memref<128xi32, #tpu.memory_space<hbm>>) target(%dma_start3A_147 : memref<128xi32, #tpu.memory_space<vmem>>) target_semaphore(%arg11 : memref<!tpu.dma_semaphore, #tpu.memory_space<semaphore_mem>>)
      %scan3A_151 = arith.constant 0 : i32
      scf.yield %scan3A_151 : i32
    }
    %scan3A_11 = arith.constant 3 : i32
    %dma_wait3A = arith.constant 0 : i32
    %dma_wait3A_12 = arith.constant 0 : i32
    %dma_wait3A_13 = arith.constant 0 : i32
    %dma_wait3A_14 = tpu.memref_slice %arg7[%dma_wait3A_13] : memref<512xi32, #tpu.memory_space<vmem>> -> memref<128xi32, #tpu.memory_space<vmem>>
    %dma_wait3A_15 = arith.constant 0 : i32
    %dma_wait3A_16 = tpu.memref_slice %arg3[%dma_wait3A, %dma_wait3A_12, %dma_wait3A_15] : memref<32x110x128xi32, #tpu.memory_space<hbm>> -> memref<1x1x128xi32, #tpu.memory_space<hbm>>
    %dma_wait3A_17 = tpu.memref_squeeze %dma_wait3A_16 : memref<1x1x128xi32, #tpu.memory_space<hbm>> -> memref<128xi32, #tpu.memory_space<hbm>>
    %dma_wait3A_18 = arith.constant 0 : i32
    %dma_wait3A_19 = tpu.memref_slice %arg7[%dma_wait3A_18] : memref<512xi32, #tpu.memory_space<vmem>> -> memref<128xi32, #tpu.memory_space<vmem>>
    %dma_wait3A_20 = arith.constant 0 : i32
    %dma_wait3A_21 = tpu.memref_slice %arg3[%dma_wait3A, %dma_wait3A_12, %dma_wait3A_20] : memref<32x110x128xi32, #tpu.memory_space<hbm>> -> memref<1x1x128xi32, #tpu.memory_space<hbm>>
    %dma_wait3A_22 = tpu.memref_squeeze %dma_wait3A_21 : memref<1x1x128xi32, #tpu.memory_space<hbm>> -> memref<128xi32, #tpu.memory_space<hbm>>
    tpu.wait_dma2 semaphore(%arg11 : memref<!tpu.dma_semaphore, #tpu.memory_space<semaphore_mem>>) src(%dma_wait3A_22 : memref<128xi32, #tpu.memory_space<hbm>>) dst(%dma_wait3A_19 : memref<128xi32, #tpu.memory_space<vmem>>)
    %dma_wait3A_23 = arith.constant 0 : i32
    %dma_wait3A_24 = arith.constant 0 : i32
    %dma_wait3A_25 = arith.constant 0 : i32
    %dma_wait3A_26 = arith.constant 0 : i32
    %dma_wait3A_27 = tpu.memref_slice %arg8[%dma_wait3A_25, %dma_wait3A_26] : memref<4x128xi32, #tpu.memory_space<vmem>> -> memref<1x128xi32, #tpu.memory_space<vmem>>
    %dma_wait3A_28 = tpu.memref_squeeze %dma_wait3A_27 : memref<1x128xi32, #tpu.memory_space<vmem>> -> memref<128xi32, #tpu.memory_space<vmem>>
    %dma_wait3A_29 = arith.constant 0 : i32
    %dma_wait3A_30 = tpu.memref_slice %arg4[%dma_wait3A_23, %dma_wait3A_24, %dma_wait3A_29] : memref<32x110x128xi32, #tpu.memory_space<hbm>> -> memref<1x1x128xi32, #tpu.memory_space<hbm>>
    %dma_wait3A_31 = tpu.memref_squeeze %dma_wait3A_30 : memref<1x1x128xi32, #tpu.memory_space<hbm>> -> memref<128xi32, #tpu.memory_space<hbm>>
    %dma_wait3A_32 = arith.constant 0 : i32
    %dma_wait3A_33 = tpu.memref_slice %arg8[%dma_wait3A_25, %dma_wait3A_32] : memref<4x128xi32, #tpu.memory_space<vmem>> -> memref<1x128xi32, #tpu.memory_space<vmem>>
    %dma_wait3A_34 = tpu.memref_squeeze %dma_wait3A_33 : memref<1x128xi32, #tpu.memory_space<vmem>> -> memref<128xi32, #tpu.memory_space<vmem>>
    %dma_wait3A_35 = arith.constant 0 : i32
    %dma_wait3A_36 = tpu.memref_slice %arg4[%dma_wait3A_23, %dma_wait3A_24, %dma_wait3A_35] : memref<32x110x128xi32, #tpu.memory_space<hbm>> -> memref<1x1x128xi32, #tpu.memory_space<hbm>>
    %dma_wait3A_37 = tpu.memref_squeeze %dma_wait3A_36 : memref<1x1x128xi32, #tpu.memory_space<hbm>> -> memref<128xi32, #tpu.memory_space<hbm>>
    tpu.wait_dma2 semaphore(%arg11 : memref<!tpu.dma_semaphore, #tpu.memory_space<semaphore_mem>>) src(%dma_wait3A_37 : memref<128xi32, #tpu.memory_space<hbm>>) dst(%dma_wait3A_34 : memref<128xi32, #tpu.memory_space<vmem>>)
    %rem3A = arith.constant 0 : i32
    %rem3A_38 = arith.constant 4 : i32
    %rem3A_39 = arith.remsi %rem3A, %rem3A_38 : i32
    %mul3A_40 = arith.constant 128 : i32
    %mul3A_41 = arith.muli %rem3A_39, %mul3A_40 : i32
    %rem3A_42 = arith.constant 0 : i32
    %rem3A_43 = arith.constant 3 : i32
    %rem3A_44 = arith.remsi %rem3A_42, %rem3A_43 : i32
    %mul3A_45 = arith.constant 128 : i32
    %mul3A_46 = arith.muli %rem3A_44, %mul3A_45 : i32
    %dma_start3A = arith.constant 0 : i32
    %dma_start3A_47 = tpu.memref_slice %arg9[%mul3A_46, %dma_start3A] : memref<384x128xf32, #tpu.memory_space<vmem>> -> memref<128x128xf32, #tpu.memory_space<vmem>>
    %dma_start3A_48 = tpu.memref_slice %arg7[%mul3A_41] : memref<512xi32, #tpu.memory_space<vmem>> -> memref<128xi32, #tpu.memory_space<vmem>>
    %dma_start3A_49 = arith.constant 0 : i32
    %dma_start3A_50 = arith.constant 0 : i32
    %dma_start3A_51 = tpu.memref_slice %arg2[%dma_start3A_49, %dma_start3A_50] : memref<10000x128xf32, #tpu.memory_space<hbm>> -> memref<10000x128xf32, #tpu.memory_space<hbm>>
    tpu.enqueue_indirect_dma source(%dma_start3A_51 : memref<10000x128xf32, #tpu.memory_space<hbm>>) target(%dma_start3A_47 : memref<128x128xf32, #tpu.memory_space<vmem>>) offsets(%dma_start3A_48 : memref<128xi32, #tpu.memory_space<vmem>>) semaphore(%arg12 : memref<!tpu.dma_semaphore, #tpu.memory_space<semaphore_mem>>)
    %dma_wait3A_52 = arith.constant 0 : i32
    %dma_wait3A_53 = arith.constant 0 : i32
    %dma_wait3A_54 = arith.constant 0 : i32
    %dma_wait3A_55 = tpu.memref_slice %arg7[%dma_wait3A_54] : memref<512xi32, #tpu.memory_space<vmem>> -> memref<128xi32, #tpu.memory_space<vmem>>
    %dma_wait3A_56 = arith.constant 0 : i32
    %dma_wait3A_57 = tpu.memref_slice %arg3[%dma_wait3A_52, %dma_wait3A_53, %dma_wait3A_56] : memref<32x110x128xi32, #tpu.memory_space<hbm>> -> memref<1x1x128xi32, #tpu.memory_space<hbm>>
    %dma_wait3A_58 = tpu.memref_squeeze %dma_wait3A_57 : memref<1x1x128xi32, #tpu.memory_space<hbm>> -> memref<128xi32, #tpu.memory_space<hbm>>
    %dma_wait3A_59 = arith.constant 0 : i32
    %dma_wait3A_60 = tpu.memref_slice %arg7[%dma_wait3A_59] : memref<512xi32, #tpu.memory_space<vmem>> -> memref<128xi32, #tpu.memory_space<vmem>>
    %dma_wait3A_61 = arith.constant 0 : i32
    %dma_wait3A_62 = tpu.memref_slice %arg3[%dma_wait3A_52, %dma_wait3A_53, %dma_wait3A_61] : memref<32x110x128xi32, #tpu.memory_space<hbm>> -> memref<1x1x128xi32, #tpu.memory_space<hbm>>
    %dma_wait3A_63 = tpu.memref_squeeze %dma_wait3A_62 : memref<1x1x128xi32, #tpu.memory_space<hbm>> -> memref<128xi32, #tpu.memory_space<hbm>>
    tpu.wait_dma2 semaphore(%arg11 : memref<!tpu.dma_semaphore, #tpu.memory_space<semaphore_mem>>) src(%dma_wait3A_63 : memref<128xi32, #tpu.memory_space<hbm>>) dst(%dma_wait3A_60 : memref<128xi32, #tpu.memory_space<vmem>>)
    %dma_wait3A_64 = arith.constant 0 : i32
    %dma_wait3A_65 = arith.constant 0 : i32
    %dma_wait3A_66 = arith.constant 0 : i32
    %dma_wait3A_67 = arith.constant 0 : i32
    %dma_wait3A_68 = tpu.memref_slice %arg8[%dma_wait3A_66, %dma_wait3A_67] : memref<4x128xi32, #tpu.memory_space<vmem>> -> memref<1x128xi32, #tpu.memory_space<vmem>>
    %dma_wait3A_69 = tpu.memref_squeeze %dma_wait3A_68 : memref<1x128xi32, #tpu.memory_space<vmem>> -> memref<128xi32, #tpu.memory_space<vmem>>
    %dma_wait3A_70 = arith.constant 0 : i32
    %dma_wait3A_71 = tpu.memref_slice %arg4[%dma_wait3A_64, %dma_wait3A_65, %dma_wait3A_70] : memref<32x110x128xi32, #tpu.memory_space<hbm>> -> memref<1x1x128xi32, #tpu.memory_space<hbm>>
    %dma_wait3A_72 = tpu.memref_squeeze %dma_wait3A_71 : memref<1x1x128xi32, #tpu.memory_space<hbm>> -> memref<128xi32, #tpu.memory_space<hbm>>
    %dma_wait3A_73 = arith.constant 0 : i32
    %dma_wait3A_74 = tpu.memref_slice %arg8[%dma_wait3A_66, %dma_wait3A_73] : memref<4x128xi32, #tpu.memory_space<vmem>> -> memref<1x128xi32, #tpu.memory_space<vmem>>
    %dma_wait3A_75 = tpu.memref_squeeze %dma_wait3A_74 : memref<1x128xi32, #tpu.memory_space<vmem>> -> memref<128xi32, #tpu.memory_space<vmem>>
    %dma_wait3A_76 = arith.constant 0 : i32
    %dma_wait3A_77 = tpu.memref_slice %arg4[%dma_wait3A_64, %dma_wait3A_65, %dma_wait3A_76] : memref<32x110x128xi32, #tpu.memory_space<hbm>> -> memref<1x1x128xi32, #tpu.memory_space<hbm>>
    %dma_wait3A_78 = tpu.memref_squeeze %dma_wait3A_77 : memref<1x1x128xi32, #tpu.memory_space<hbm>> -> memref<128xi32, #tpu.memory_space<hbm>>
    tpu.wait_dma2 semaphore(%arg11 : memref<!tpu.dma_semaphore, #tpu.memory_space<semaphore_mem>>) src(%dma_wait3A_78 : memref<128xi32, #tpu.memory_space<hbm>>) dst(%dma_wait3A_75 : memref<128xi32, #tpu.memory_space<vmem>>)
    %rem3A_79 = arith.constant 1 : i32
    %rem3A_80 = arith.constant 4 : i32
    %rem3A_81 = arith.remsi %rem3A_79, %rem3A_80 : i32
    %mul3A_82 = arith.constant 128 : i32
    %mul3A_83 = arith.muli %rem3A_81, %mul3A_82 : i32
    %rem3A_84 = arith.constant 1 : i32
    %rem3A_85 = arith.constant 3 : i32
    %rem3A_86 = arith.remsi %rem3A_84, %rem3A_85 : i32
    %mul3A_87 = arith.constant 128 : i32
    %mul3A_88 = arith.muli %rem3A_86, %mul3A_87 : i32
    %dma_start3A_89 = arith.constant 0 : i32
    %dma_start3A_90 = tpu.memref_slice %arg9[%mul3A_88, %dma_start3A_89] : memref<384x128xf32, #tpu.memory_space<vmem>> -> memref<128x128xf32, #tpu.memory_space<vmem>>
    %dma_start3A_91 = tpu.memref_slice %arg7[%mul3A_83] : memref<512xi32, #tpu.memory_space<vmem>> -> memref<128xi32, #tpu.memory_space<vmem>>
    %dma_start3A_92 = arith.constant 0 : i32
    %dma_start3A_93 = arith.constant 0 : i32
    %dma_start3A_94 = tpu.memref_slice %arg2[%dma_start3A_92, %dma_start3A_93] : memref<10000x128xf32, #tpu.memory_space<hbm>> -> memref<10000x128xf32, #tpu.memory_space<hbm>>
    tpu.enqueue_indirect_dma source(%dma_start3A_94 : memref<10000x128xf32, #tpu.memory_space<hbm>>) target(%dma_start3A_90 : memref<128x128xf32, #tpu.memory_space<vmem>>) offsets(%dma_start3A_91 : memref<128xi32, #tpu.memory_space<vmem>>) semaphore(%arg12 : memref<!tpu.dma_semaphore, #tpu.memory_space<semaphore_mem>>)
    %while3A = arith.constant 0 : i32
    %while3A_95 = arith.constant 0 : i32
    %while3A_96 = arith.constant 0 : i32
    %while3A_97 = arith.constant 0 : i32
    %while3A_98 = arith.constant 0 : i32
    %while3A_99 = arith.constant 0 : i32
    %while3A_100 = arith.constant 0 : i32
    %while3A_101 = arith.constant 0 : i32
    %while3A_102 = arith.subi %select_n3A, %while3A_100 : i32
    %while3A_103 = arith.addi %while3A_100, %while3A_102 : i32
    %while3A_104 = arith.constant 1 : i32
    %while3A_105 = arith.divsi %while3A_102, %while3A_104 : i32
    %while3A_106 = arith.muli %while3A_105, %while3A_104 : i32
    %while3A_107 = arith.addi %while3A_100, %while3A_106 : i32
    %while3A_108 = arith.constant 1 : i32
    %while3A_109 = scf.for %while3A_123 = %while3A_100 to %while3A_107 step %while3A_108 iter_args(%while3A_124 = %while3A_101) -> (i32)  : i32 {
      %gt3A = arith.constant 0 : i32
      %gt3A_125 = arith.cmpi sgt, %while3A_123, %gt3A : i32
      %convert_element_type3A = arith.extui %gt3A_125 : i1 to i32
      %cond3A = arith.constant 0 : i32
      %cond3A_126 = arith.cmpi ne, %convert_element_type3A, %cond3A : i32
      scf.if %cond3A_126 {
        %dma_wait3A_162 = arith.constant 0 : i32
        %dma_wait3A_163 = arith.constant 0 : i32
        %dma_wait3A_164 = tpu.memref_slice %arg9[%dma_wait3A_162, %dma_wait3A_163] : memref<384x128xf32, #tpu.memory_space<vmem>> -> memref<128x128xf32, #tpu.memory_space<vmem>>
        %dma_wait3A_165 = arith.constant 0 : i32
        %dma_wait3A_166 = tpu.memref_slice %arg8[%while3A, %dma_wait3A_165] : memref<4x128xi32, #tpu.memory_space<vmem>> -> memref<1x128xi32, #tpu.memory_space<vmem>>
        %dma_wait3A_167 = tpu.memref_squeeze %dma_wait3A_166 : memref<1x128xi32, #tpu.memory_space<vmem>> -> memref<128xi32, #tpu.memory_space<vmem>>
        %dma_wait3A_168 = arith.constant 0 : i32
        %dma_wait3A_169 = arith.constant 0 : i32
        %dma_wait3A_170 = tpu.memref_slice %arg10[%dma_wait3A_168, %dma_wait3A_169] : memref<10008x128xf32, #tpu.memory_space<vmem_shared>> -> memref<10008x128xf32, #tpu.memory_space<vmem_shared>>
        tpu.wait_indirect_dma semaphore(%arg13 : memref<!tpu.dma_semaphore, #tpu.memory_space<semaphore_mem>>) src(%dma_wait3A_164 : memref<128x128xf32, #tpu.memory_space<vmem>>) dst(%dma_wait3A_170 : memref<10008x128xf32, #tpu.memory_space<vmem_shared>>)
      } else {
      }
      %add3A_127 = arith.constant 4 : i32
      %add3A_128 = arith.addi %while3A_123, %add3A_127 : i32
      %sub3A = arith.constant 1 : i32
      %sub3A_129 = arith.subi %add3A_128, %sub3A : i32
      %lt3A = arith.cmpi slt, %sub3A_129, %select_n3A : i32
      %convert_element_type3A_130 = arith.extui %lt3A : i1 to i32
      %cond3A_131 = arith.constant 0 : i32
      %cond3A_132 = arith.cmpi ne, %convert_element_type3A_130, %cond3A_131 : i32
      scf.if %cond3A_132 {
        %add3A_162 = arith.constant 4 : i32
        %add3A_163 = arith.addi %while3A_123, %add3A_162 : i32
        %sub3A_164 = arith.constant 1 : i32
        %sub3A_165 = arith.subi %add3A_163, %sub3A_164 : i32
        %rem3A_166 = arith.constant 4 : i32
        %rem3A_167 = arith.remsi %sub3A_165, %rem3A_166 : i32
        %mul3A_168 = arith.constant 128 : i32
        %mul3A_169 = arith.muli %rem3A_167, %mul3A_168 : i32
        %dma_start3A_170 = tpu.memref_slice %arg7[%mul3A_169] : memref<512xi32, #tpu.memory_space<vmem>> -> memref<128xi32, #tpu.memory_space<vmem>>
        %dma_start3A_171 = arith.constant 0 : i32
        %dma_start3A_172 = tpu.memref_slice %arg3[%add3A, %sub3A_165, %dma_start3A_171] : memref<32x110x128xi32, #tpu.memory_space<hbm>> -> memref<1x1x128xi32, #tpu.memory_space<hbm>>
        %dma_start3A_173 = tpu.memref_squeeze %dma_start3A_172 : memref<1x1x128xi32, #tpu.memory_space<hbm>> -> memref<128xi32, #tpu.memory_space<hbm>>
        %dma_start3A_174 = tpu.memref_slice %arg7[%mul3A_169] : memref<512xi32, #tpu.memory_space<vmem>> -> memref<128xi32, #tpu.memory_space<vmem>>
        %dma_start3A_175 = arith.constant 0 : i32
        %dma_start3A_176 = tpu.memref_slice %arg3[%add3A, %sub3A_165, %dma_start3A_175] : memref<32x110x128xi32, #tpu.memory_space<hbm>> -> memref<1x1x128xi32, #tpu.memory_space<hbm>>
        %dma_start3A_177 = tpu.memref_squeeze %dma_start3A_176 : memref<1x1x128xi32, #tpu.memory_space<hbm>> -> memref<128xi32, #tpu.memory_space<hbm>>
        tpu.enqueue_dma source(%dma_start3A_177 : memref<128xi32, #tpu.memory_space<hbm>>) target(%dma_start3A_174 : memref<128xi32, #tpu.memory_space<vmem>>) target_semaphore(%arg11 : memref<!tpu.dma_semaphore, #tpu.memory_space<semaphore_mem>>)
        %rem3A_178 = arith.constant 4 : i32
        %rem3A_179 = arith.remsi %sub3A_165, %rem3A_178 : i32
        %dma_start3A_180 = arith.constant 0 : i32
        %dma_start3A_181 = tpu.memref_slice %arg8[%rem3A_179, %dma_start3A_180] : memref<4x128xi32, #tpu.memory_space<vmem>> -> memref<1x128xi32, #tpu.memory_space<vmem>>
        %dma_start3A_182 = tpu.memref_squeeze %dma_start3A_181 : memref<1x128xi32, #tpu.memory_space<vmem>> -> memref<128xi32, #tpu.memory_space<vmem>>
        %dma_start3A_183 = arith.constant 0 : i32
        %dma_start3A_184 = tpu.memref_slice %arg4[%add3A, %sub3A_165, %dma_start3A_183] : memref<32x110x128xi32, #tpu.memory_space<hbm>> -> memref<1x1x128xi32, #tpu.memory_space<hbm>>
        %dma_start3A_185 = tpu.memref_squeeze %dma_start3A_184 : memref<1x1x128xi32, #tpu.memory_space<hbm>> -> memref<128xi32, #tpu.memory_space<hbm>>
        %dma_start3A_186 = arith.constant 0 : i32
        %dma_start3A_187 = tpu.memref_slice %arg8[%rem3A_179, %dma_start3A_186] : memref<4x128xi32, #tpu.memory_space<vmem>> -> memref<1x128xi32, #tpu.memory_space<vmem>>
        %dma_start3A_188 = tpu.memref_squeeze %dma_start3A_187 : memref<1x128xi32, #tpu.memory_space<vmem>> -> memref<128xi32, #tpu.memory_space<vmem>>
        %dma_start3A_189 = arith.constant 0 : i32
        %dma_start3A_190 = tpu.memref_slice %arg4[%add3A, %sub3A_165, %dma_start3A_189] : memref<32x110x128xi32, #tpu.memory_space<hbm>> -> memref<1x1x128xi32, #tpu.memory_space<hbm>>
        %dma_start3A_191 = tpu.memref_squeeze %dma_start3A_190 : memref<1x1x128xi32, #tpu.memory_space<hbm>> -> memref<128xi32, #tpu.memory_space<hbm>>
        tpu.enqueue_dma source(%dma_start3A_191 : memref<128xi32, #tpu.memory_space<hbm>>) target(%dma_start3A_188 : memref<128xi32, #tpu.memory_space<vmem>>) target_semaphore(%arg11 : memref<!tpu.dma_semaphore, #tpu.memory_space<semaphore_mem>>)
      } else {
      }
      %add3A_133 = arith.constant 2 : i32
      %add3A_134 = arith.addi %while3A_123, %add3A_133 : i32
      %lt3A_135 = arith.cmpi slt, %add3A_134, %select_n3A : i32
      %convert_element_type3A_136 = arith.extui %lt3A_135 : i1 to i32
      %cond3A_137 = arith.constant 0 : i32
      %cond3A_138 = arith.cmpi ne, %convert_element_type3A_136, %cond3A_137 : i32
      scf.if %cond3A_138 {
        %dma_wait3A_162 = arith.constant 0 : i32
        %dma_wait3A_163 = tpu.memref_slice %arg7[%dma_wait3A_162] : memref<512xi32, #tpu.memory_space<vmem>> -> memref<128xi32, #tpu.memory_space<vmem>>
        %dma_wait3A_164 = arith.constant 0 : i32
        %dma_wait3A_165 = tpu.memref_slice %arg3[%while3A_95, %while3A_96, %dma_wait3A_164] : memref<32x110x128xi32, #tpu.memory_space<hbm>> -> memref<1x1x128xi32, #tpu.memory_space<hbm>>
        %dma_wait3A_166 = tpu.memref_squeeze %dma_wait3A_165 : memref<1x1x128xi32, #tpu.memory_space<hbm>> -> memref<128xi32, #tpu.memory_space<hbm>>
        %dma_wait3A_167 = arith.constant 0 : i32
        %dma_wait3A_168 = tpu.memref_slice %arg7[%dma_wait3A_167] : memref<512xi32, #tpu.memory_space<vmem>> -> memref<128xi32, #tpu.memory_space<vmem>>
        %dma_wait3A_169 = arith.constant 0 : i32
        %dma_wait3A_170 = tpu.memref_slice %arg3[%while3A_95, %while3A_96, %dma_wait3A_169] : memref<32x110x128xi32, #tpu.memory_space<hbm>> -> memref<1x1x128xi32, #tpu.memory_space<hbm>>
        %dma_wait3A_171 = tpu.memref_squeeze %dma_wait3A_170 : memref<1x1x128xi32, #tpu.memory_space<hbm>> -> memref<128xi32, #tpu.memory_space<hbm>>
        tpu.wait_dma2 semaphore(%arg11 : memref<!tpu.dma_semaphore, #tpu.memory_space<semaphore_mem>>) src(%dma_wait3A_171 : memref<128xi32, #tpu.memory_space<hbm>>) dst(%dma_wait3A_168 : memref<128xi32, #tpu.memory_space<vmem>>)
        %dma_wait3A_172 = arith.constant 0 : i32
        %dma_wait3A_173 = tpu.memref_slice %arg8[%while3A_99, %dma_wait3A_172] : memref<4x128xi32, #tpu.memory_space<vmem>> -> memref<1x128xi32, #tpu.memory_space<vmem>>
        %dma_wait3A_174 = tpu.memref_squeeze %dma_wait3A_173 : memref<1x128xi32, #tpu.memory_space<vmem>> -> memref<128xi32, #tpu.memory_space<vmem>>
        %dma_wait3A_175 = arith.constant 0 : i32
        %dma_wait3A_176 = tpu.memref_slice %arg4[%while3A_97, %while3A_98, %dma_wait3A_175] : memref<32x110x128xi32, #tpu.memory_space<hbm>> -> memref<1x1x128xi32, #tpu.memory_space<hbm>>
        %dma_wait3A_177 = tpu.memref_squeeze %dma_wait3A_176 : memref<1x1x128xi32, #tpu.memory_space<hbm>> -> memref<128xi32, #tpu.memory_space<hbm>>
        %dma_wait3A_178 = arith.constant 0 : i32
        %dma_wait3A_179 = tpu.memref_slice %arg8[%while3A_99, %dma_wait3A_178] : memref<4x128xi32, #tpu.memory_space<vmem>> -> memref<1x128xi32, #tpu.memory_space<vmem>>
        %dma_wait3A_180 = tpu.memref_squeeze %dma_wait3A_179 : memref<1x128xi32, #tpu.memory_space<vmem>> -> memref<128xi32, #tpu.memory_space<vmem>>
        %dma_wait3A_181 = arith.constant 0 : i32
        %dma_wait3A_182 = tpu.memref_slice %arg4[%while3A_97, %while3A_98, %dma_wait3A_181] : memref<32x110x128xi32, #tpu.memory_space<hbm>> -> memref<1x1x128xi32, #tpu.memory_space<hbm>>
        %dma_wait3A_183 = tpu.memref_squeeze %dma_wait3A_182 : memref<1x1x128xi32, #tpu.memory_space<hbm>> -> memref<128xi32, #tpu.memory_space<hbm>>
        tpu.wait_dma2 semaphore(%arg11 : memref<!tpu.dma_semaphore, #tpu.memory_space<semaphore_mem>>) src(%dma_wait3A_183 : memref<128xi32, #tpu.memory_space<hbm>>) dst(%dma_wait3A_180 : memref<128xi32, #tpu.memory_space<vmem>>)
        %add3A_184 = arith.constant 2 : i32
        %add3A_185 = arith.addi %while3A_123, %add3A_184 : i32
        %rem3A_186 = arith.constant 4 : i32
        %rem3A_187 = arith.remsi %add3A_185, %rem3A_186 : i32
        %mul3A_188 = arith.constant 128 : i32
        %mul3A_189 = arith.muli %rem3A_187, %mul3A_188 : i32
        %add3A_190 = arith.constant 2 : i32
        %add3A_191 = arith.addi %while3A_123, %add3A_190 : i32
        %rem3A_192 = arith.constant 3 : i32
        %rem3A_193 = arith.remsi %add3A_191, %rem3A_192 : i32
        %mul3A_194 = arith.constant 128 : i32
        %mul3A_195 = arith.muli %rem3A_193, %mul3A_194 : i32
        %dma_start3A_196 = arith.constant 0 : i32
        %dma_start3A_197 = tpu.memref_slice %arg9[%mul3A_195, %dma_start3A_196] : memref<384x128xf32, #tpu.memory_space<vmem>> -> memref<128x128xf32, #tpu.memory_space<vmem>>
        %dma_start3A_198 = tpu.memref_slice %arg7[%mul3A_189] : memref<512xi32, #tpu.memory_space<vmem>> -> memref<128xi32, #tpu.memory_space<vmem>>
        %dma_start3A_199 = arith.constant 0 : i32
        %dma_start3A_200 = arith.constant 0 : i32
        %dma_start3A_201 = tpu.memref_slice %arg2[%dma_start3A_199, %dma_start3A_200] : memref<10000x128xf32, #tpu.memory_space<hbm>> -> memref<10000x128xf32, #tpu.memory_space<hbm>>
        tpu.enqueue_indirect_dma source(%dma_start3A_201 : memref<10000x128xf32, #tpu.memory_space<hbm>>) target(%dma_start3A_197 : memref<128x128xf32, #tpu.memory_space<vmem>>) offsets(%dma_start3A_198 : memref<128xi32, #tpu.memory_space<vmem>>) semaphore(%arg12 : memref<!tpu.dma_semaphore, #tpu.memory_space<semaphore_mem>>)
      } else {
      }
      %dma_wait3A_139 = arith.constant 0 : i32
      %dma_wait3A_140 = arith.constant 0 : i32
      %dma_wait3A_141 = tpu.memref_slice %arg9[%dma_wait3A_139, %dma_wait3A_140] : memref<384x128xf32, #tpu.memory_space<vmem>> -> memref<128x128xf32, #tpu.memory_space<vmem>>
      %dma_wait3A_142 = arith.constant 0 : i32
      %dma_wait3A_143 = tpu.memref_slice %arg7[%dma_wait3A_142] : memref<512xi32, #tpu.memory_space<vmem>> -> memref<128xi32, #tpu.memory_space<vmem>>
      %dma_wait3A_144 = arith.constant 0 : i32
      %dma_wait3A_145 = arith.constant 0 : i32
      %dma_wait3A_146 = tpu.memref_slice %arg2[%dma_wait3A_144, %dma_wait3A_145] : memref<10000x128xf32, #tpu.memory_space<hbm>> -> memref<10000x128xf32, #tpu.memory_space<hbm>>
      tpu.wait_indirect_dma semaphore(%arg12 : memref<!tpu.dma_semaphore, #tpu.memory_space<semaphore_mem>>) src(%dma_wait3A_146 : memref<10000x128xf32, #tpu.memory_space<hbm>>) dst(%dma_wait3A_141 : memref<128x128xf32, #tpu.memory_space<vmem>>)
      %rem3A_147 = arith.constant 3 : i32
      %rem3A_148 = arith.remsi %while3A_123, %rem3A_147 : i32
      %mul3A_149 = arith.constant 128 : i32
      %mul3A_150 = arith.muli %rem3A_148, %mul3A_149 : i32
      %rem3A_151 = arith.constant 4 : i32
      %rem3A_152 = arith.remsi %while3A_123, %rem3A_151 : i32
      %dma_start3A_153 = arith.constant 0 : i32
      %dma_start3A_154 = tpu.memref_slice %arg9[%mul3A_150, %dma_start3A_153] : memref<384x128xf32, #tpu.memory_space<vmem>> -> memref<128x128xf32, #tpu.memory_space<vmem>>
      %dma_start3A_155 = arith.constant 0 : i32
      %dma_start3A_156 = tpu.memref_slice %arg8[%rem3A_152, %dma_start3A_155] : memref<4x128xi32, #tpu.memory_space<vmem>> -> memref<1x128xi32, #tpu.memory_space<vmem>>
      %dma_start3A_157 = tpu.memref_squeeze %dma_start3A_156 : memref<1x128xi32, #tpu.memory_space<vmem>> -> memref<128xi32, #tpu.memory_space<vmem>>
      %dma_start3A_158 = arith.constant 0 : i32
      %dma_start3A_159 = arith.constant 0 : i32
      %dma_start3A_160 = tpu.memref_slice %arg10[%dma_start3A_158, %dma_start3A_159] : memref<10008x128xf32, #tpu.memory_space<vmem_shared>> -> memref<10008x128xf32, #tpu.memory_space<vmem_shared>>
      tpu.enqueue_indirect_dma source(%dma_start3A_154 : memref<128x128xf32, #tpu.memory_space<vmem>>) target(%dma_start3A_160 : memref<10008x128xf32, #tpu.memory_space<vmem_shared>>) offsets(%dma_start3A_157 : memref<128xi32, #tpu.memory_space<vmem>>) semaphore(%arg13 : memref<!tpu.dma_semaphore, #tpu.memory_space<semaphore_mem>>) {add = true}
      %while3A_161 = arith.constant 0 : i32
      scf.yield %while3A_161 : i32
    }
    %while3A_110 = arith.constant 1 : i32
    %while3A_111 = scf.for %while3A_123 = %while3A_107 to %while3A_103 step %while3A_110 iter_args(%while3A_124 = %while3A_109) -> (i32)  : i32 {
      %gt3A = arith.constant 0 : i32
      %gt3A_125 = arith.cmpi sgt, %while3A_123, %gt3A : i32
      %convert_element_type3A = arith.extui %gt3A_125 : i1 to i32
      %cond3A = arith.constant 0 : i32
      %cond3A_126 = arith.cmpi ne, %convert_element_type3A, %cond3A : i32
      scf.if %cond3A_126 {
        %dma_wait3A_162 = arith.constant 0 : i32
        %dma_wait3A_163 = arith.constant 0 : i32
        %dma_wait3A_164 = tpu.memref_slice %arg9[%dma_wait3A_162, %dma_wait3A_163] : memref<384x128xf32, #tpu.memory_space<vmem>> -> memref<128x128xf32, #tpu.memory_space<vmem>>
        %dma_wait3A_165 = arith.constant 0 : i32
        %dma_wait3A_166 = tpu.memref_slice %arg8[%while3A, %dma_wait3A_165] : memref<4x128xi32, #tpu.memory_space<vmem>> -> memref<1x128xi32, #tpu.memory_space<vmem>>
        %dma_wait3A_167 = tpu.memref_squeeze %dma_wait3A_166 : memref<1x128xi32, #tpu.memory_space<vmem>> -> memref<128xi32, #tpu.memory_space<vmem>>
        %dma_wait3A_168 = arith.constant 0 : i32
        %dma_wait3A_169 = arith.constant 0 : i32
        %dma_wait3A_170 = tpu.memref_slice %arg10[%dma_wait3A_168, %dma_wait3A_169] : memref<10008x128xf32, #tpu.memory_space<vmem_shared>> -> memref<10008x128xf32, #tpu.memory_space<vmem_shared>>
        tpu.wait_indirect_dma semaphore(%arg13 : memref<!tpu.dma_semaphore, #tpu.memory_space<semaphore_mem>>) src(%dma_wait3A_164 : memref<128x128xf32, #tpu.memory_space<vmem>>) dst(%dma_wait3A_170 : memref<10008x128xf32, #tpu.memory_space<vmem_shared>>)
      } else {
      }
      %add3A_127 = arith.constant 4 : i32
      %add3A_128 = arith.addi %while3A_123, %add3A_127 : i32
      %sub3A = arith.constant 1 : i32
      %sub3A_129 = arith.subi %add3A_128, %sub3A : i32
      %lt3A = arith.cmpi slt, %sub3A_129, %select_n3A : i32
      %convert_element_type3A_130 = arith.extui %lt3A : i1 to i32
      %cond3A_131 = arith.constant 0 : i32
      %cond3A_132 = arith.cmpi ne, %convert_element_type3A_130, %cond3A_131 : i32
      scf.if %cond3A_132 {
        %add3A_162 = arith.constant 4 : i32
        %add3A_163 = arith.addi %while3A_123, %add3A_162 : i32
        %sub3A_164 = arith.constant 1 : i32
        %sub3A_165 = arith.subi %add3A_163, %sub3A_164 : i32
        %rem3A_166 = arith.constant 4 : i32
        %rem3A_167 = arith.remsi %sub3A_165, %rem3A_166 : i32
        %mul3A_168 = arith.constant 128 : i32
        %mul3A_169 = arith.muli %rem3A_167, %mul3A_168 : i32
        %dma_start3A_170 = tpu.memref_slice %arg7[%mul3A_169] : memref<512xi32, #tpu.memory_space<vmem>> -> memref<128xi32, #tpu.memory_space<vmem>>
        %dma_start3A_171 = arith.constant 0 : i32
        %dma_start3A_172 = tpu.memref_slice %arg3[%add3A, %sub3A_165, %dma_start3A_171] : memref<32x110x128xi32, #tpu.memory_space<hbm>> -> memref<1x1x128xi32, #tpu.memory_space<hbm>>
        %dma_start3A_173 = tpu.memref_squeeze %dma_start3A_172 : memref<1x1x128xi32, #tpu.memory_space<hbm>> -> memref<128xi32, #tpu.memory_space<hbm>>
        %dma_start3A_174 = tpu.memref_slice %arg7[%mul3A_169] : memref<512xi32, #tpu.memory_space<vmem>> -> memref<128xi32, #tpu.memory_space<vmem>>
        %dma_start3A_175 = arith.constant 0 : i32
        %dma_start3A_176 = tpu.memref_slice %arg3[%add3A, %sub3A_165, %dma_start3A_175] : memref<32x110x128xi32, #tpu.memory_space<hbm>> -> memref<1x1x128xi32, #tpu.memory_space<hbm>>
        %dma_start3A_177 = tpu.memref_squeeze %dma_start3A_176 : memref<1x1x128xi32, #tpu.memory_space<hbm>> -> memref<128xi32, #tpu.memory_space<hbm>>
        tpu.enqueue_dma source(%dma_start3A_177 : memref<128xi32, #tpu.memory_space<hbm>>) target(%dma_start3A_174 : memref<128xi32, #tpu.memory_space<vmem>>) target_semaphore(%arg11 : memref<!tpu.dma_semaphore, #tpu.memory_space<semaphore_mem>>)
        %rem3A_178 = arith.constant 4 : i32
        %rem3A_179 = arith.remsi %sub3A_165, %rem3A_178 : i32
        %dma_start3A_180 = arith.constant 0 : i32
        %dma_start3A_181 = tpu.memref_slice %arg8[%rem3A_179, %dma_start3A_180] : memref<4x128xi32, #tpu.memory_space<vmem>> -> memref<1x128xi32, #tpu.memory_space<vmem>>
        %dma_start3A_182 = tpu.memref_squeeze %dma_start3A_181 : memref<1x128xi32, #tpu.memory_space<vmem>> -> memref<128xi32, #tpu.memory_space<vmem>>
        %dma_start3A_183 = arith.constant 0 : i32
        %dma_start3A_184 = tpu.memref_slice %arg4[%add3A, %sub3A_165, %dma_start3A_183] : memref<32x110x128xi32, #tpu.memory_space<hbm>> -> memref<1x1x128xi32, #tpu.memory_space<hbm>>
        %dma_start3A_185 = tpu.memref_squeeze %dma_start3A_184 : memref<1x1x128xi32, #tpu.memory_space<hbm>> -> memref<128xi32, #tpu.memory_space<hbm>>
        %dma_start3A_186 = arith.constant 0 : i32
        %dma_start3A_187 = tpu.memref_slice %arg8[%rem3A_179, %dma_start3A_186] : memref<4x128xi32, #tpu.memory_space<vmem>> -> memref<1x128xi32, #tpu.memory_space<vmem>>
        %dma_start3A_188 = tpu.memref_squeeze %dma_start3A_187 : memref<1x128xi32, #tpu.memory_space<vmem>> -> memref<128xi32, #tpu.memory_space<vmem>>
        %dma_start3A_189 = arith.constant 0 : i32
        %dma_start3A_190 = tpu.memref_slice %arg4[%add3A, %sub3A_165, %dma_start3A_189] : memref<32x110x128xi32, #tpu.memory_space<hbm>> -> memref<1x1x128xi32, #tpu.memory_space<hbm>>
        %dma_start3A_191 = tpu.memref_squeeze %dma_start3A_190 : memref<1x1x128xi32, #tpu.memory_space<hbm>> -> memref<128xi32, #tpu.memory_space<hbm>>
        tpu.enqueue_dma source(%dma_start3A_191 : memref<128xi32, #tpu.memory_space<hbm>>) target(%dma_start3A_188 : memref<128xi32, #tpu.memory_space<vmem>>) target_semaphore(%arg11 : memref<!tpu.dma_semaphore, #tpu.memory_space<semaphore_mem>>)
      } else {
      }
      %add3A_133 = arith.constant 2 : i32
      %add3A_134 = arith.addi %while3A_123, %add3A_133 : i32
      %lt3A_135 = arith.cmpi slt, %add3A_134, %select_n3A : i32
      %convert_element_type3A_136 = arith.extui %lt3A_135 : i1 to i32
      %cond3A_137 = arith.constant 0 : i32
      %cond3A_138 = arith.cmpi ne, %convert_element_type3A_136, %cond3A_137 : i32
      scf.if %cond3A_138 {
        %dma_wait3A_162 = arith.constant 0 : i32
        %dma_wait3A_163 = tpu.memref_slice %arg7[%dma_wait3A_162] : memref<512xi32, #tpu.memory_space<vmem>> -> memref<128xi32, #tpu.memory_space<vmem>>
        %dma_wait3A_164 = arith.constant 0 : i32
        %dma_wait3A_165 = tpu.memref_slice %arg3[%while3A_95, %while3A_96, %dma_wait3A_164] : memref<32x110x128xi32, #tpu.memory_space<hbm>> -> memref<1x1x128xi32, #tpu.memory_space<hbm>>
        %dma_wait3A_166 = tpu.memref_squeeze %dma_wait3A_165 : memref<1x1x128xi32, #tpu.memory_space<hbm>> -> memref<128xi32, #tpu.memory_space<hbm>>
        %dma_wait3A_167 = arith.constant 0 : i32
        %dma_wait3A_168 = tpu.memref_slice %arg7[%dma_wait3A_167] : memref<512xi32, #tpu.memory_space<vmem>> -> memref<128xi32, #tpu.memory_space<vmem>>
        %dma_wait3A_169 = arith.constant 0 : i32
        %dma_wait3A_170 = tpu.memref_slice %arg3[%while3A_95, %while3A_96, %dma_wait3A_169] : memref<32x110x128xi32, #tpu.memory_space<hbm>> -> memref<1x1x128xi32, #tpu.memory_space<hbm>>
        %dma_wait3A_171 = tpu.memref_squeeze %dma_wait3A_170 : memref<1x1x128xi32, #tpu.memory_space<hbm>> -> memref<128xi32, #tpu.memory_space<hbm>>
        tpu.wait_dma2 semaphore(%arg11 : memref<!tpu.dma_semaphore, #tpu.memory_space<semaphore_mem>>) src(%dma_wait3A_171 : memref<128xi32, #tpu.memory_space<hbm>>) dst(%dma_wait3A_168 : memref<128xi32, #tpu.memory_space<vmem>>)
        %dma_wait3A_172 = arith.constant 0 : i32
        %dma_wait3A_173 = tpu.memref_slice %arg8[%while3A_99, %dma_wait3A_172] : memref<4x128xi32, #tpu.memory_space<vmem>> -> memref<1x128xi32, #tpu.memory_space<vmem>>
        %dma_wait3A_174 = tpu.memref_squeeze %dma_wait3A_173 : memref<1x128xi32, #tpu.memory_space<vmem>> -> memref<128xi32, #tpu.memory_space<vmem>>
        %dma_wait3A_175 = arith.constant 0 : i32
        %dma_wait3A_176 = tpu.memref_slice %arg4[%while3A_97, %while3A_98, %dma_wait3A_175] : memref<32x110x128xi32, #tpu.memory_space<hbm>> -> memref<1x1x128xi32, #tpu.memory_space<hbm>>
        %dma_wait3A_177 = tpu.memref_squeeze %dma_wait3A_176 : memref<1x1x128xi32, #tpu.memory_space<hbm>> -> memref<128xi32, #tpu.memory_space<hbm>>
        %dma_wait3A_178 = arith.constant 0 : i32
        %dma_wait3A_179 = tpu.memref_slice %arg8[%while3A_99, %dma_wait3A_178] : memref<4x128xi32, #tpu.memory_space<vmem>> -> memref<1x128xi32, #tpu.memory_space<vmem>>
        %dma_wait3A_180 = tpu.memref_squeeze %dma_wait3A_179 : memref<1x128xi32, #tpu.memory_space<vmem>> -> memref<128xi32, #tpu.memory_space<vmem>>
        %dma_wait3A_181 = arith.constant 0 : i32
        %dma_wait3A_182 = tpu.memref_slice %arg4[%while3A_97, %while3A_98, %dma_wait3A_181] : memref<32x110x128xi32, #tpu.memory_space<hbm>> -> memref<1x1x128xi32, #tpu.memory_space<hbm>>
        %dma_wait3A_183 = tpu.memref_squeeze %dma_wait3A_182 : memref<1x1x128xi32, #tpu.memory_space<hbm>> -> memref<128xi32, #tpu.memory_space<hbm>>
        tpu.wait_dma2 semaphore(%arg11 : memref<!tpu.dma_semaphore, #tpu.memory_space<semaphore_mem>>) src(%dma_wait3A_183 : memref<128xi32, #tpu.memory_space<hbm>>) dst(%dma_wait3A_180 : memref<128xi32, #tpu.memory_space<vmem>>)
        %add3A_184 = arith.constant 2 : i32
        %add3A_185 = arith.addi %while3A_123, %add3A_184 : i32
        %rem3A_186 = arith.constant 4 : i32
        %rem3A_187 = arith.remsi %add3A_185, %rem3A_186 : i32
        %mul3A_188 = arith.constant 128 : i32
        %mul3A_189 = arith.muli %rem3A_187, %mul3A_188 : i32
        %add3A_190 = arith.constant 2 : i32
        %add3A_191 = arith.addi %while3A_123, %add3A_190 : i32
        %rem3A_192 = arith.constant 3 : i32
        %rem3A_193 = arith.remsi %add3A_191, %rem3A_192 : i32
        %mul3A_194 = arith.constant 128 : i32
        %mul3A_195 = arith.muli %rem3A_193, %mul3A_194 : i32
        %dma_start3A_196 = arith.constant 0 : i32
        %dma_start3A_197 = tpu.memref_slice %arg9[%mul3A_195, %dma_start3A_196] : memref<384x128xf32, #tpu.memory_space<vmem>> -> memref<128x128xf32, #tpu.memory_space<vmem>>
        %dma_start3A_198 = tpu.memref_slice %arg7[%mul3A_189] : memref<512xi32, #tpu.memory_space<vmem>> -> memref<128xi32, #tpu.memory_space<vmem>>
        %dma_start3A_199 = arith.constant 0 : i32
        %dma_start3A_200 = arith.constant 0 : i32
        %dma_start3A_201 = tpu.memref_slice %arg2[%dma_start3A_199, %dma_start3A_200] : memref<10000x128xf32, #tpu.memory_space<hbm>> -> memref<10000x128xf32, #tpu.memory_space<hbm>>
        tpu.enqueue_indirect_dma source(%dma_start3A_201 : memref<10000x128xf32, #tpu.memory_space<hbm>>) target(%dma_start3A_197 : memref<128x128xf32, #tpu.memory_space<vmem>>) offsets(%dma_start3A_198 : memref<128xi32, #tpu.memory_space<vmem>>) semaphore(%arg12 : memref<!tpu.dma_semaphore, #tpu.memory_space<semaphore_mem>>)
      } else {
      }
      %dma_wait3A_139 = arith.constant 0 : i32
      %dma_wait3A_140 = arith.constant 0 : i32
      %dma_wait3A_141 = tpu.memref_slice %arg9[%dma_wait3A_139, %dma_wait3A_140] : memref<384x128xf32, #tpu.memory_space<vmem>> -> memref<128x128xf32, #tpu.memory_space<vmem>>
      %dma_wait3A_142 = arith.constant 0 : i32
      %dma_wait3A_143 = tpu.memref_slice %arg7[%dma_wait3A_142] : memref<512xi32, #tpu.memory_space<vmem>> -> memref<128xi32, #tpu.memory_space<vmem>>
      %dma_wait3A_144 = arith.constant 0 : i32
      %dma_wait3A_145 = arith.constant 0 : i32
      %dma_wait3A_146 = tpu.memref_slice %arg2[%dma_wait3A_144, %dma_wait3A_145] : memref<10000x128xf32, #tpu.memory_space<hbm>> -> memref<10000x128xf32, #tpu.memory_space<hbm>>
      tpu.wait_indirect_dma semaphore(%arg12 : memref<!tpu.dma_semaphore, #tpu.memory_space<semaphore_mem>>) src(%dma_wait3A_146 : memref<10000x128xf32, #tpu.memory_space<hbm>>) dst(%dma_wait3A_141 : memref<128x128xf32, #tpu.memory_space<vmem>>)
      %rem3A_147 = arith.constant 3 : i32
      %rem3A_148 = arith.remsi %while3A_123, %rem3A_147 : i32
      %mul3A_149 = arith.constant 128 : i32
      %mul3A_150 = arith.muli %rem3A_148, %mul3A_149 : i32
      %rem3A_151 = arith.constant 4 : i32
      %rem3A_152 = arith.remsi %while3A_123, %rem3A_151 : i32
      %dma_start3A_153 = arith.constant 0 : i32
      %dma_start3A_154 = tpu.memref_slice %arg9[%mul3A_150, %dma_start3A_153] : memref<384x128xf32, #tpu.memory_space<vmem>> -> memref<128x128xf32, #tpu.memory_space<vmem>>
      %dma_start3A_155 = arith.constant 0 : i32
      %dma_start3A_156 = tpu.memref_slice %arg8[%rem3A_152, %dma_start3A_155] : memref<4x128xi32, #tpu.memory_space<vmem>> -> memref<1x128xi32, #tpu.memory_space<vmem>>
      %dma_start3A_157 = tpu.memref_squeeze %dma_start3A_156 : memref<1x128xi32, #tpu.memory_space<vmem>> -> memref<128xi32, #tpu.memory_space<vmem>>
      %dma_start3A_158 = arith.constant 0 : i32
      %dma_start3A_159 = arith.constant 0 : i32
      %dma_start3A_160 = tpu.memref_slice %arg10[%dma_start3A_158, %dma_start3A_159] : memref<10008x128xf32, #tpu.memory_space<vmem_shared>> -> memref<10008x128xf32, #tpu.memory_space<vmem_shared>>
      tpu.enqueue_indirect_dma source(%dma_start3A_154 : memref<128x128xf32, #tpu.memory_space<vmem>>) target(%dma_start3A_160 : memref<10008x128xf32, #tpu.memory_space<vmem_shared>>) offsets(%dma_start3A_157 : memref<128xi32, #tpu.memory_space<vmem>>) semaphore(%arg13 : memref<!tpu.dma_semaphore, #tpu.memory_space<semaphore_mem>>) {add = true}
      %while3A_161 = arith.constant 0 : i32
      scf.yield %while3A_161 : i32
    }
    %dma_wait3A_112 = arith.constant 0 : i32
    %dma_wait3A_113 = arith.constant 0 : i32
    %dma_wait3A_114 = arith.constant 0 : i32
    %dma_wait3A_115 = tpu.memref_slice %arg9[%dma_wait3A_113, %dma_wait3A_114] : memref<384x128xf32, #tpu.memory_space<vmem>> -> memref<128x128xf32, #tpu.memory_space<vmem>>
    %dma_wait3A_116 = arith.constant 0 : i32
    %dma_wait3A_117 = tpu.memref_slice %arg8[%dma_wait3A_112, %dma_wait3A_116] : memref<4x128xi32, #tpu.memory_space<vmem>> -> memref<1x128xi32, #tpu.memory_space<vmem>>
    %dma_wait3A_118 = tpu.memref_squeeze %dma_wait3A_117 : memref<1x128xi32, #tpu.memory_space<vmem>> -> memref<128xi32, #tpu.memory_space<vmem>>
    %dma_wait3A_119 = arith.constant 0 : i32
    %dma_wait3A_120 = arith.constant 0 : i32
    %dma_wait3A_121 = tpu.memref_slice %arg10[%dma_wait3A_119, %dma_wait3A_120] : memref<10008x128xf32, #tpu.memory_space<vmem_shared>> -> memref<10008x128xf32, #tpu.memory_space<vmem_shared>>
    tpu.wait_indirect_dma semaphore(%arg13 : memref<!tpu.dma_semaphore, #tpu.memory_space<semaphore_mem>>) src(%dma_wait3A_115 : memref<128x128xf32, #tpu.memory_space<vmem>>) dst(%dma_wait3A_121 : memref<10008x128xf32, #tpu.memory_space<vmem_shared>>)
    %barrier3A_122 = arith.constant 0 : index
    tpu.barrier barrier_id(%barrier3A_122)
    "tpu.region"() ({
      %run_scoped3A = tpu.sem_alloc : memref<!tpu.dma_semaphore, #tpu.memory_space<semaphore_mem>>
      %dma_start3A_123 = arith.constant 0 : i32
      %dma_start3A_124 = tpu.memref_slice %arg6[%arg0, %min3A_5, %dma_start3A_123] : memref<2x10008x128xf32, #tpu.memory_space<hbm>> -> memref<1x632x128xf32, #tpu.memory_space<hbm>>
      %dma_start3A_125 = tpu.memref_squeeze %dma_start3A_124 : memref<1x632x128xf32, #tpu.memory_space<hbm>> -> memref<632x128xf32, #tpu.memory_space<hbm>>
      %dma_start3A_126 = arith.constant 0 : i32
      %dma_start3A_127 = tpu.memref_slice %arg10[%min3A_5, %dma_start3A_126] : memref<10008x128xf32, #tpu.memory_space<vmem_shared>> -> memref<632x128xf32, #tpu.memory_space<vmem_shared>>
      tpu.enqueue_dma source(%dma_start3A_127 : memref<632x128xf32, #tpu.memory_space<vmem_shared>>) target(%dma_start3A_125 : memref<632x128xf32, #tpu.memory_space<hbm>>) target_semaphore(%run_scoped3A : memref<!tpu.dma_semaphore, #tpu.memory_space<semaphore_mem>>)
      %dma_wait3A_128 = arith.constant 0 : i32
      %dma_wait3A_129 = tpu.memref_slice %arg6[%arg0, %min3A_5, %dma_wait3A_128] : memref<2x10008x128xf32, #tpu.memory_space<hbm>> -> memref<1x632x128xf32, #tpu.memory_space<hbm>>
      %dma_wait3A_130 = tpu.memref_squeeze %dma_wait3A_129 : memref<1x632x128xf32, #tpu.memory_space<hbm>> -> memref<632x128xf32, #tpu.memory_space<hbm>>
      %dma_wait3A_131 = arith.constant 0 : i32
      %dma_wait3A_132 = tpu.memref_slice %arg10[%min3A_5, %dma_wait3A_131] : memref<10008x128xf32, #tpu.memory_space<vmem_shared>> -> memref<632x128xf32, #tpu.memory_space<vmem_shared>>
      tpu.wait_dma2 semaphore(%run_scoped3A : memref<!tpu.dma_semaphore, #tpu.memory_space<semaphore_mem>>) src(%dma_wait3A_132 : memref<632x128xf32, #tpu.memory_space<vmem_shared>>) dst(%dma_wait3A_130 : memref<632x128xf32, #tpu.memory_space<hbm>>)
      tpu.yield
    }) : () -> ()
    return
  }
}

#map = affine_map<(d0, d1) -> (0, 0)>
#map1 = affine_map<(d0, d1) -> (0, 0, 0)>
module attributes {stable_mosaic.version = 14 : i64} {
  func.func @_sc_agg_body(%arg0: i32, %arg1: i32, %arg2: memref<10000x128xf32, #tpu.memory_space<hbm>>, %arg3: memref<32x110x128xi32, #tpu.memory_space<hbm>>, %arg4: memref<32x110x128xi32, #tpu.memory_space<hbm>>, %arg5: memref<10008x128xf32, #tpu.memory_space<hbm>>, %arg6: memref<2x10008x128xf32, #tpu.memory_space<hbm>>, %arg7: memref<512xi32, #tpu.memory_space<vmem>>, %arg8: memref<4x128xi32, #tpu.memory_space<vmem>>, %arg9: memref<384x128xf32, #tpu.memory_space<vmem>>, %arg10: memref<10008x128xf32, #tpu.memory_space<vmem_shared>>, %arg11: memref<!tpu.dma_semaphore, #tpu.memory_space<semaphore_mem>>, %arg12: memref<!tpu.dma_semaphore, #tpu.memory_space<semaphore_mem>>, %arg13: memref<!tpu.dma_semaphore, #tpu.memory_space<semaphore_mem>>) attributes {dimension_semantics = [#tpu.dimension_semantics<core_parallel>, #tpu.dimension_semantics<subcore_parallel>], iteration_bounds = array<i64: 2, 16>, scalar_prefetch = 0 : i64, scratch_operands = 7 : i64, tpu.core_type = #tpu.core_type<sc_vector_subcore>, window_params = [{transform_indices = #map}, {transform_indices = #map1}, {transform_indices = #map1}, {transform_indices = #map}, {transform_indices = #map1}]} {
    %mul3A = arith.constant 2 : i32
    %mul3A_0 = arith.muli %arg1, %mul3A : i32
    %add3A = arith.addi %mul3A_0, %arg0 : i32
    %eq3A = arith.constant 0 : i32
    %eq3A_1 = arith.cmpi eq, %arg0, %eq3A : i32
    %jit3A = arith.constant 110 : i32
    %jit3A_2 = arith.constant 48 : i32
    %select_n3A = arith.select %eq3A_1, %jit3A, %jit3A_2 : i32
    %mul3A_3 = arith.constant 632 : i32
    %mul3A_4 = arith.muli %arg1, %mul3A_3 : i32
    %min3A = arith.constant 9376 : i32
    %min3A_5 = arith.minsi %mul3A_4, %min3A : i32
    "tpu.region"() ({
      %run_scoped3A = tpu.sem_alloc : memref<!tpu.dma_semaphore, #tpu.memory_space<semaphore_mem>>
      %dma_start3A_123 = arith.constant 0 : i32
      %dma_start3A_124 = tpu.memref_slice %arg10[%min3A_5, %dma_start3A_123] : memref<10008x128xf32, #tpu.memory_space<vmem_shared>> -> memref<632x128xf32, #tpu.memory_space<vmem_shared>>
      %dma_start3A_125 = arith.constant 0 : i32
      %dma_start3A_126 = tpu.memref_slice %arg5[%min3A_5, %dma_start3A_125] : memref<10008x128xf32, #tpu.memory_space<hbm>> -> memref<632x128xf32, #tpu.memory_space<hbm>>
      tpu.enqueue_dma source(%dma_start3A_126 : memref<632x128xf32, #tpu.memory_space<hbm>>) target(%dma_start3A_124 : memref<632x128xf32, #tpu.memory_space<vmem_shared>>) target_semaphore(%run_scoped3A : memref<!tpu.dma_semaphore, #tpu.memory_space<semaphore_mem>>)
      %dma_wait3A_127 = arith.constant 0 : i32
      %dma_wait3A_128 = tpu.memref_slice %arg10[%min3A_5, %dma_wait3A_127] : memref<10008x128xf32, #tpu.memory_space<vmem_shared>> -> memref<632x128xf32, #tpu.memory_space<vmem_shared>>
      %dma_wait3A_129 = arith.constant 0 : i32
      %dma_wait3A_130 = tpu.memref_slice %arg5[%min3A_5, %dma_wait3A_129] : memref<10008x128xf32, #tpu.memory_space<hbm>> -> memref<632x128xf32, #tpu.memory_space<hbm>>
      tpu.wait_dma2 semaphore(%run_scoped3A : memref<!tpu.dma_semaphore, #tpu.memory_space<semaphore_mem>>) src(%dma_wait3A_130 : memref<632x128xf32, #tpu.memory_space<hbm>>) dst(%dma_wait3A_128 : memref<632x128xf32, #tpu.memory_space<vmem_shared>>)
      tpu.yield
    }) : () -> ()
    %barrier3A = arith.constant 0 : index
    tpu.barrier barrier_id(%barrier3A)
    %scan3A = arith.constant 0 : i32
    %scan3A_6 = arith.constant 0 : i32
    %scan3A_7 = arith.constant 3 : i32
    %scan3A_8 = arith.addi %scan3A_6, %scan3A_7 : i32
    %scan3A_9 = arith.constant 1 : i32
    %scan3A_10 = scf.for %scan3A_123 = %scan3A_6 to %scan3A_8 step %scan3A_9 iter_args(%scan3A_124 = %scan3A) -> (i32)  : i32 {
      %rem3A_125 = arith.constant 4 : i32
      %rem3A_126 = arith.remsi %scan3A_123, %rem3A_125 : i32
      %mul3A_127 = arith.constant 128 : i32
      %mul3A_128 = arith.muli %rem3A_126, %mul3A_127 : i32
      %dma_start3A_129 = tpu.memref_slice %arg7[%mul3A_128] : memref<512xi32, #tpu.memory_space<vmem>> -> memref<128xi32, #tpu.memory_space<vmem>>
      %dma_start3A_130 = arith.constant 0 : i32
      %dma_start3A_131 = tpu.memref_slice %arg3[%add3A, %scan3A_123, %dma_start3A_130] : memref<32x110x128xi32, #tpu.memory_space<hbm>> -> memref<1x1x128xi32, #tpu.memory_space<hbm>>
      %dma_start3A_132 = tpu.memref_squeeze %dma_start3A_131 : memref<1x1x128xi32, #tpu.memory_space<hbm>> -> memref<128xi32, #tpu.memory_space<hbm>>
      %dma_start3A_133 = tpu.memref_slice %arg7[%mul3A_128] : memref<512xi32, #tpu.memory_space<vmem>> -> memref<128xi32, #tpu.memory_space<vmem>>
      %dma_start3A_134 = arith.constant 0 : i32
      %dma_start3A_135 = tpu.memref_slice %arg3[%add3A, %scan3A_123, %dma_start3A_134] : memref<32x110x128xi32, #tpu.memory_space<hbm>> -> memref<1x1x128xi32, #tpu.memory_space<hbm>>
      %dma_start3A_136 = tpu.memref_squeeze %dma_start3A_135 : memref<1x1x128xi32, #tpu.memory_space<hbm>> -> memref<128xi32, #tpu.memory_space<hbm>>
      tpu.enqueue_dma source(%dma_start3A_136 : memref<128xi32, #tpu.memory_space<hbm>>) target(%dma_start3A_133 : memref<128xi32, #tpu.memory_space<vmem>>) target_semaphore(%arg11 : memref<!tpu.dma_semaphore, #tpu.memory_space<semaphore_mem>>)
      %rem3A_137 = arith.constant 4 : i32
      %rem3A_138 = arith.remsi %scan3A_123, %rem3A_137 : i32
      %dma_start3A_139 = arith.constant 0 : i32
      %dma_start3A_140 = tpu.memref_slice %arg8[%rem3A_138, %dma_start3A_139] : memref<4x128xi32, #tpu.memory_space<vmem>> -> memref<1x128xi32, #tpu.memory_space<vmem>>
      %dma_start3A_141 = tpu.memref_squeeze %dma_start3A_140 : memref<1x128xi32, #tpu.memory_space<vmem>> -> memref<128xi32, #tpu.memory_space<vmem>>
      %dma_start3A_142 = arith.constant 0 : i32
      %dma_start3A_143 = tpu.memref_slice %arg4[%add3A, %scan3A_123, %dma_start3A_142] : memref<32x110x128xi32, #tpu.memory_space<hbm>> -> memref<1x1x128xi32, #tpu.memory_space<hbm>>
      %dma_start3A_144 = tpu.memref_squeeze %dma_start3A_143 : memref<1x1x128xi32, #tpu.memory_space<hbm>> -> memref<128xi32, #tpu.memory_space<hbm>>
      %dma_start3A_145 = arith.constant 0 : i32
      %dma_start3A_146 = tpu.memref_slice %arg8[%rem3A_138, %dma_start3A_145] : memref<4x128xi32, #tpu.memory_space<vmem>> -> memref<1x128xi32, #tpu.memory_space<vmem>>
      %dma_start3A_147 = tpu.memref_squeeze %dma_start3A_146 : memref<1x128xi32, #tpu.memory_space<vmem>> -> memref<128xi32, #tpu.memory_space<vmem>>
      %dma_start3A_148 = arith.constant 0 : i32
      %dma_start3A_149 = tpu.memref_slice %arg4[%add3A, %scan3A_123, %dma_start3A_148] : memref<32x110x128xi32, #tpu.memory_space<hbm>> -> memref<1x1x128xi32, #tpu.memory_space<hbm>>
      %dma_start3A_150 = tpu.memref_squeeze %dma_start3A_149 : memref<1x1x128xi32, #tpu.memory_space<hbm>> -> memref<128xi32, #tpu.memory_space<hbm>>
      tpu.enqueue_dma source(%dma_start3A_150 : memref<128xi32, #tpu.memory_space<hbm>>) target(%dma_start3A_147 : memref<128xi32, #tpu.memory_space<vmem>>) target_semaphore(%arg11 : memref<!tpu.dma_semaphore, #tpu.memory_space<semaphore_mem>>)
      %scan3A_151 = arith.constant 0 : i32
      scf.yield %scan3A_151 : i32
    }
    %scan3A_11 = arith.constant 3 : i32
    %dma_wait3A = arith.constant 0 : i32
    %dma_wait3A_12 = arith.constant 0 : i32
    %dma_wait3A_13 = arith.constant 0 : i32
    %dma_wait3A_14 = tpu.memref_slice %arg7[%dma_wait3A_13] : memref<512xi32, #tpu.memory_space<vmem>> -> memref<128xi32, #tpu.memory_space<vmem>>
    %dma_wait3A_15 = arith.constant 0 : i32
    %dma_wait3A_16 = tpu.memref_slice %arg3[%dma_wait3A, %dma_wait3A_12, %dma_wait3A_15] : memref<32x110x128xi32, #tpu.memory_space<hbm>> -> memref<1x1x128xi32, #tpu.memory_space<hbm>>
    %dma_wait3A_17 = tpu.memref_squeeze %dma_wait3A_16 : memref<1x1x128xi32, #tpu.memory_space<hbm>> -> memref<128xi32, #tpu.memory_space<hbm>>
    %dma_wait3A_18 = arith.constant 0 : i32
    %dma_wait3A_19 = tpu.memref_slice %arg7[%dma_wait3A_18] : memref<512xi32, #tpu.memory_space<vmem>> -> memref<128xi32, #tpu.memory_space<vmem>>
    %dma_wait3A_20 = arith.constant 0 : i32
    %dma_wait3A_21 = tpu.memref_slice %arg3[%dma_wait3A, %dma_wait3A_12, %dma_wait3A_20] : memref<32x110x128xi32, #tpu.memory_space<hbm>> -> memref<1x1x128xi32, #tpu.memory_space<hbm>>
    %dma_wait3A_22 = tpu.memref_squeeze %dma_wait3A_21 : memref<1x1x128xi32, #tpu.memory_space<hbm>> -> memref<128xi32, #tpu.memory_space<hbm>>
    tpu.wait_dma2 semaphore(%arg11 : memref<!tpu.dma_semaphore, #tpu.memory_space<semaphore_mem>>) src(%dma_wait3A_22 : memref<128xi32, #tpu.memory_space<hbm>>) dst(%dma_wait3A_19 : memref<128xi32, #tpu.memory_space<vmem>>)
    %dma_wait3A_23 = arith.constant 0 : i32
    %dma_wait3A_24 = arith.constant 0 : i32
    %dma_wait3A_25 = arith.constant 0 : i32
    %dma_wait3A_26 = arith.constant 0 : i32
    %dma_wait3A_27 = tpu.memref_slice %arg8[%dma_wait3A_25, %dma_wait3A_26] : memref<4x128xi32, #tpu.memory_space<vmem>> -> memref<1x128xi32, #tpu.memory_space<vmem>>
    %dma_wait3A_28 = tpu.memref_squeeze %dma_wait3A_27 : memref<1x128xi32, #tpu.memory_space<vmem>> -> memref<128xi32, #tpu.memory_space<vmem>>
    %dma_wait3A_29 = arith.constant 0 : i32
    %dma_wait3A_30 = tpu.memref_slice %arg4[%dma_wait3A_23, %dma_wait3A_24, %dma_wait3A_29] : memref<32x110x128xi32, #tpu.memory_space<hbm>> -> memref<1x1x128xi32, #tpu.memory_space<hbm>>
    %dma_wait3A_31 = tpu.memref_squeeze %dma_wait3A_30 : memref<1x1x128xi32, #tpu.memory_space<hbm>> -> memref<128xi32, #tpu.memory_space<hbm>>
    %dma_wait3A_32 = arith.constant 0 : i32
    %dma_wait3A_33 = tpu.memref_slice %arg8[%dma_wait3A_25, %dma_wait3A_32] : memref<4x128xi32, #tpu.memory_space<vmem>> -> memref<1x128xi32, #tpu.memory_space<vmem>>
    %dma_wait3A_34 = tpu.memref_squeeze %dma_wait3A_33 : memref<1x128xi32, #tpu.memory_space<vmem>> -> memref<128xi32, #tpu.memory_space<vmem>>
    %dma_wait3A_35 = arith.constant 0 : i32
    %dma_wait3A_36 = tpu.memref_slice %arg4[%dma_wait3A_23, %dma_wait3A_24, %dma_wait3A_35] : memref<32x110x128xi32, #tpu.memory_space<hbm>> -> memref<1x1x128xi32, #tpu.memory_space<hbm>>
    %dma_wait3A_37 = tpu.memref_squeeze %dma_wait3A_36 : memref<1x1x128xi32, #tpu.memory_space<hbm>> -> memref<128xi32, #tpu.memory_space<hbm>>
    tpu.wait_dma2 semaphore(%arg11 : memref<!tpu.dma_semaphore, #tpu.memory_space<semaphore_mem>>) src(%dma_wait3A_37 : memref<128xi32, #tpu.memory_space<hbm>>) dst(%dma_wait3A_34 : memref<128xi32, #tpu.memory_space<vmem>>)
    %rem3A = arith.constant 0 : i32
    %rem3A_38 = arith.constant 4 : i32
    %rem3A_39 = arith.remsi %rem3A, %rem3A_38 : i32
    %mul3A_40 = arith.constant 128 : i32
    %mul3A_41 = arith.muli %rem3A_39, %mul3A_40 : i32
    %rem3A_42 = arith.constant 0 : i32
    %rem3A_43 = arith.constant 3 : i32
    %rem3A_44 = arith.remsi %rem3A_42, %rem3A_43 : i32
    %mul3A_45 = arith.constant 128 : i32
    %mul3A_46 = arith.muli %rem3A_44, %mul3A_45 : i32
    %dma_start3A = arith.constant 0 : i32
    %dma_start3A_47 = tpu.memref_slice %arg9[%mul3A_46, %dma_start3A] : memref<384x128xf32, #tpu.memory_space<vmem>> -> memref<128x128xf32, #tpu.memory_space<vmem>>
    %dma_start3A_48 = tpu.memref_slice %arg7[%mul3A_41] : memref<512xi32, #tpu.memory_space<vmem>> -> memref<128xi32, #tpu.memory_space<vmem>>
    %dma_start3A_49 = arith.constant 0 : i32
    %dma_start3A_50 = arith.constant 0 : i32
    %dma_start3A_51 = tpu.memref_slice %arg2[%dma_start3A_49, %dma_start3A_50] : memref<10000x128xf32, #tpu.memory_space<hbm>> -> memref<10000x128xf32, #tpu.memory_space<hbm>>
    tpu.enqueue_indirect_dma source(%dma_start3A_51 : memref<10000x128xf32, #tpu.memory_space<hbm>>) target(%dma_start3A_47 : memref<128x128xf32, #tpu.memory_space<vmem>>) offsets(%dma_start3A_48 : memref<128xi32, #tpu.memory_space<vmem>>) semaphore(%arg12 : memref<!tpu.dma_semaphore, #tpu.memory_space<semaphore_mem>>)
    %dma_wait3A_52 = arith.constant 0 : i32
    %dma_wait3A_53 = arith.constant 0 : i32
    %dma_wait3A_54 = arith.constant 0 : i32
    %dma_wait3A_55 = tpu.memref_slice %arg7[%dma_wait3A_54] : memref<512xi32, #tpu.memory_space<vmem>> -> memref<128xi32, #tpu.memory_space<vmem>>
    %dma_wait3A_56 = arith.constant 0 : i32
    %dma_wait3A_57 = tpu.memref_slice %arg3[%dma_wait3A_52, %dma_wait3A_53, %dma_wait3A_56] : memref<32x110x128xi32, #tpu.memory_space<hbm>> -> memref<1x1x128xi32, #tpu.memory_space<hbm>>
    %dma_wait3A_58 = tpu.memref_squeeze %dma_wait3A_57 : memref<1x1x128xi32, #tpu.memory_space<hbm>> -> memref<128xi32, #tpu.memory_space<hbm>>
    %dma_wait3A_59 = arith.constant 0 : i32
    %dma_wait3A_60 = tpu.memref_slice %arg7[%dma_wait3A_59] : memref<512xi32, #tpu.memory_space<vmem>> -> memref<128xi32, #tpu.memory_space<vmem>>
    %dma_wait3A_61 = arith.constant 0 : i32
    %dma_wait3A_62 = tpu.memref_slice %arg3[%dma_wait3A_52, %dma_wait3A_53, %dma_wait3A_61] : memref<32x110x128xi32, #tpu.memory_space<hbm>> -> memref<1x1x128xi32, #tpu.memory_space<hbm>>
    %dma_wait3A_63 = tpu.memref_squeeze %dma_wait3A_62 : memref<1x1x128xi32, #tpu.memory_space<hbm>> -> memref<128xi32, #tpu.memory_space<hbm>>
    tpu.wait_dma2 semaphore(%arg11 : memref<!tpu.dma_semaphore, #tpu.memory_space<semaphore_mem>>) src(%dma_wait3A_63 : memref<128xi32, #tpu.memory_space<hbm>>) dst(%dma_wait3A_60 : memref<128xi32, #tpu.memory_space<vmem>>)
    %dma_wait3A_64 = arith.constant 0 : i32
    %dma_wait3A_65 = arith.constant 0 : i32
    %dma_wait3A_66 = arith.constant 0 : i32
    %dma_wait3A_67 = arith.constant 0 : i32
    %dma_wait3A_68 = tpu.memref_slice %arg8[%dma_wait3A_66, %dma_wait3A_67] : memref<4x128xi32, #tpu.memory_space<vmem>> -> memref<1x128xi32, #tpu.memory_space<vmem>>
    %dma_wait3A_69 = tpu.memref_squeeze %dma_wait3A_68 : memref<1x128xi32, #tpu.memory_space<vmem>> -> memref<128xi32, #tpu.memory_space<vmem>>
    %dma_wait3A_70 = arith.constant 0 : i32
    %dma_wait3A_71 = tpu.memref_slice %arg4[%dma_wait3A_64, %dma_wait3A_65, %dma_wait3A_70] : memref<32x110x128xi32, #tpu.memory_space<hbm>> -> memref<1x1x128xi32, #tpu.memory_space<hbm>>
    %dma_wait3A_72 = tpu.memref_squeeze %dma_wait3A_71 : memref<1x1x128xi32, #tpu.memory_space<hbm>> -> memref<128xi32, #tpu.memory_space<hbm>>
    %dma_wait3A_73 = arith.constant 0 : i32
    %dma_wait3A_74 = tpu.memref_slice %arg8[%dma_wait3A_66, %dma_wait3A_73] : memref<4x128xi32, #tpu.memory_space<vmem>> -> memref<1x128xi32, #tpu.memory_space<vmem>>
    %dma_wait3A_75 = tpu.memref_squeeze %dma_wait3A_74 : memref<1x128xi32, #tpu.memory_space<vmem>> -> memref<128xi32, #tpu.memory_space<vmem>>
    %dma_wait3A_76 = arith.constant 0 : i32
    %dma_wait3A_77 = tpu.memref_slice %arg4[%dma_wait3A_64, %dma_wait3A_65, %dma_wait3A_76] : memref<32x110x128xi32, #tpu.memory_space<hbm>> -> memref<1x1x128xi32, #tpu.memory_space<hbm>>
    %dma_wait3A_78 = tpu.memref_squeeze %dma_wait3A_77 : memref<1x1x128xi32, #tpu.memory_space<hbm>> -> memref<128xi32, #tpu.memory_space<hbm>>
    tpu.wait_dma2 semaphore(%arg11 : memref<!tpu.dma_semaphore, #tpu.memory_space<semaphore_mem>>) src(%dma_wait3A_78 : memref<128xi32, #tpu.memory_space<hbm>>) dst(%dma_wait3A_75 : memref<128xi32, #tpu.memory_space<vmem>>)
    %rem3A_79 = arith.constant 1 : i32
    %rem3A_80 = arith.constant 4 : i32
    %rem3A_81 = arith.remsi %rem3A_79, %rem3A_80 : i32
    %mul3A_82 = arith.constant 128 : i32
    %mul3A_83 = arith.muli %rem3A_81, %mul3A_82 : i32
    %rem3A_84 = arith.constant 1 : i32
    %rem3A_85 = arith.constant 3 : i32
    %rem3A_86 = arith.remsi %rem3A_84, %rem3A_85 : i32
    %mul3A_87 = arith.constant 128 : i32
    %mul3A_88 = arith.muli %rem3A_86, %mul3A_87 : i32
    %dma_start3A_89 = arith.constant 0 : i32
    %dma_start3A_90 = tpu.memref_slice %arg9[%mul3A_88, %dma_start3A_89] : memref<384x128xf32, #tpu.memory_space<vmem>> -> memref<128x128xf32, #tpu.memory_space<vmem>>
    %dma_start3A_91 = tpu.memref_slice %arg7[%mul3A_83] : memref<512xi32, #tpu.memory_space<vmem>> -> memref<128xi32, #tpu.memory_space<vmem>>
    %dma_start3A_92 = arith.constant 0 : i32
    %dma_start3A_93 = arith.constant 0 : i32
    %dma_start3A_94 = tpu.memref_slice %arg2[%dma_start3A_92, %dma_start3A_93] : memref<10000x128xf32, #tpu.memory_space<hbm>> -> memref<10000x128xf32, #tpu.memory_space<hbm>>
    tpu.enqueue_indirect_dma source(%dma_start3A_94 : memref<10000x128xf32, #tpu.memory_space<hbm>>) target(%dma_start3A_90 : memref<128x128xf32, #tpu.memory_space<vmem>>) offsets(%dma_start3A_91 : memref<128xi32, #tpu.memory_space<vmem>>) semaphore(%arg12 : memref<!tpu.dma_semaphore, #tpu.memory_space<semaphore_mem>>)
    %while3A = arith.constant 0 : i32
    %while3A_95 = arith.constant 0 : i32
    %while3A_96 = arith.constant 0 : i32
    %while3A_97 = arith.constant 0 : i32
    %while3A_98 = arith.constant 0 : i32
    %while3A_99 = arith.constant 0 : i32
    %while3A_100 = arith.constant 0 : i32
    %while3A_101 = arith.constant 0 : i32
    %while3A_102 = arith.subi %select_n3A, %while3A_100 : i32
    %while3A_103 = arith.addi %while3A_100, %while3A_102 : i32
    %while3A_104 = arith.constant 1 : i32
    %while3A_105 = arith.divsi %while3A_102, %while3A_104 : i32
    %while3A_106 = arith.muli %while3A_105, %while3A_104 : i32
    %while3A_107 = arith.addi %while3A_100, %while3A_106 : i32
    %while3A_108 = arith.constant 1 : i32
    %while3A_109 = scf.for %while3A_123 = %while3A_100 to %while3A_107 step %while3A_108 iter_args(%while3A_124 = %while3A_101) -> (i32)  : i32 {
      %gt3A = arith.constant 0 : i32
      %gt3A_125 = arith.cmpi sgt, %while3A_123, %gt3A : i32
      %convert_element_type3A = arith.extui %gt3A_125 : i1 to i32
      %cond3A = arith.constant 0 : i32
      %cond3A_126 = arith.cmpi ne, %convert_element_type3A, %cond3A : i32
      scf.if %cond3A_126 {
        %dma_wait3A_162 = arith.constant 0 : i32
        %dma_wait3A_163 = arith.constant 0 : i32
        %dma_wait3A_164 = tpu.memref_slice %arg9[%dma_wait3A_162, %dma_wait3A_163] : memref<384x128xf32, #tpu.memory_space<vmem>> -> memref<128x128xf32, #tpu.memory_space<vmem>>
        %dma_wait3A_165 = arith.constant 0 : i32
        %dma_wait3A_166 = tpu.memref_slice %arg8[%while3A, %dma_wait3A_165] : memref<4x128xi32, #tpu.memory_space<vmem>> -> memref<1x128xi32, #tpu.memory_space<vmem>>
        %dma_wait3A_167 = tpu.memref_squeeze %dma_wait3A_166 : memref<1x128xi32, #tpu.memory_space<vmem>> -> memref<128xi32, #tpu.memory_space<vmem>>
        %dma_wait3A_168 = arith.constant 0 : i32
        %dma_wait3A_169 = arith.constant 0 : i32
        %dma_wait3A_170 = tpu.memref_slice %arg10[%dma_wait3A_168, %dma_wait3A_169] : memref<10008x128xf32, #tpu.memory_space<vmem_shared>> -> memref<10008x128xf32, #tpu.memory_space<vmem_shared>>
        tpu.wait_indirect_dma semaphore(%arg13 : memref<!tpu.dma_semaphore, #tpu.memory_space<semaphore_mem>>) src(%dma_wait3A_164 : memref<128x128xf32, #tpu.memory_space<vmem>>) dst(%dma_wait3A_170 : memref<10008x128xf32, #tpu.memory_space<vmem_shared>>)
      } else {
      }
      %add3A_127 = arith.constant 4 : i32
      %add3A_128 = arith.addi %while3A_123, %add3A_127 : i32
      %sub3A = arith.constant 1 : i32
      %sub3A_129 = arith.subi %add3A_128, %sub3A : i32
      %lt3A = arith.cmpi slt, %sub3A_129, %select_n3A : i32
      %convert_element_type3A_130 = arith.extui %lt3A : i1 to i32
      %cond3A_131 = arith.constant 0 : i32
      %cond3A_132 = arith.cmpi ne, %convert_element_type3A_130, %cond3A_131 : i32
      scf.if %cond3A_132 {
        %add3A_162 = arith.constant 4 : i32
        %add3A_163 = arith.addi %while3A_123, %add3A_162 : i32
        %sub3A_164 = arith.constant 1 : i32
        %sub3A_165 = arith.subi %add3A_163, %sub3A_164 : i32
        %rem3A_166 = arith.constant 4 : i32
        %rem3A_167 = arith.remsi %sub3A_165, %rem3A_166 : i32
        %mul3A_168 = arith.constant 128 : i32
        %mul3A_169 = arith.muli %rem3A_167, %mul3A_168 : i32
        %dma_start3A_170 = tpu.memref_slice %arg7[%mul3A_169] : memref<512xi32, #tpu.memory_space<vmem>> -> memref<128xi32, #tpu.memory_space<vmem>>
        %dma_start3A_171 = arith.constant 0 : i32
        %dma_start3A_172 = tpu.memref_slice %arg3[%add3A, %sub3A_165, %dma_start3A_171] : memref<32x110x128xi32, #tpu.memory_space<hbm>> -> memref<1x1x128xi32, #tpu.memory_space<hbm>>
        %dma_start3A_173 = tpu.memref_squeeze %dma_start3A_172 : memref<1x1x128xi32, #tpu.memory_space<hbm>> -> memref<128xi32, #tpu.memory_space<hbm>>
        %dma_start3A_174 = tpu.memref_slice %arg7[%mul3A_169] : memref<512xi32, #tpu.memory_space<vmem>> -> memref<128xi32, #tpu.memory_space<vmem>>
        %dma_start3A_175 = arith.constant 0 : i32
        %dma_start3A_176 = tpu.memref_slice %arg3[%add3A, %sub3A_165, %dma_start3A_175] : memref<32x110x128xi32, #tpu.memory_space<hbm>> -> memref<1x1x128xi32, #tpu.memory_space<hbm>>
        %dma_start3A_177 = tpu.memref_squeeze %dma_start3A_176 : memref<1x1x128xi32, #tpu.memory_space<hbm>> -> memref<128xi32, #tpu.memory_space<hbm>>
        tpu.enqueue_dma source(%dma_start3A_177 : memref<128xi32, #tpu.memory_space<hbm>>) target(%dma_start3A_174 : memref<128xi32, #tpu.memory_space<vmem>>) target_semaphore(%arg11 : memref<!tpu.dma_semaphore, #tpu.memory_space<semaphore_mem>>)
        %rem3A_178 = arith.constant 4 : i32
        %rem3A_179 = arith.remsi %sub3A_165, %rem3A_178 : i32
        %dma_start3A_180 = arith.constant 0 : i32
        %dma_start3A_181 = tpu.memref_slice %arg8[%rem3A_179, %dma_start3A_180] : memref<4x128xi32, #tpu.memory_space<vmem>> -> memref<1x128xi32, #tpu.memory_space<vmem>>
        %dma_start3A_182 = tpu.memref_squeeze %dma_start3A_181 : memref<1x128xi32, #tpu.memory_space<vmem>> -> memref<128xi32, #tpu.memory_space<vmem>>
        %dma_start3A_183 = arith.constant 0 : i32
        %dma_start3A_184 = tpu.memref_slice %arg4[%add3A, %sub3A_165, %dma_start3A_183] : memref<32x110x128xi32, #tpu.memory_space<hbm>> -> memref<1x1x128xi32, #tpu.memory_space<hbm>>
        %dma_start3A_185 = tpu.memref_squeeze %dma_start3A_184 : memref<1x1x128xi32, #tpu.memory_space<hbm>> -> memref<128xi32, #tpu.memory_space<hbm>>
        %dma_start3A_186 = arith.constant 0 : i32
        %dma_start3A_187 = tpu.memref_slice %arg8[%rem3A_179, %dma_start3A_186] : memref<4x128xi32, #tpu.memory_space<vmem>> -> memref<1x128xi32, #tpu.memory_space<vmem>>
        %dma_start3A_188 = tpu.memref_squeeze %dma_start3A_187 : memref<1x128xi32, #tpu.memory_space<vmem>> -> memref<128xi32, #tpu.memory_space<vmem>>
        %dma_start3A_189 = arith.constant 0 : i32
        %dma_start3A_190 = tpu.memref_slice %arg4[%add3A, %sub3A_165, %dma_start3A_189] : memref<32x110x128xi32, #tpu.memory_space<hbm>> -> memref<1x1x128xi32, #tpu.memory_space<hbm>>
        %dma_start3A_191 = tpu.memref_squeeze %dma_start3A_190 : memref<1x1x128xi32, #tpu.memory_space<hbm>> -> memref<128xi32, #tpu.memory_space<hbm>>
        tpu.enqueue_dma source(%dma_start3A_191 : memref<128xi32, #tpu.memory_space<hbm>>) target(%dma_start3A_188 : memref<128xi32, #tpu.memory_space<vmem>>) target_semaphore(%arg11 : memref<!tpu.dma_semaphore, #tpu.memory_space<semaphore_mem>>)
      } else {
      }
      %add3A_133 = arith.constant 2 : i32
      %add3A_134 = arith.addi %while3A_123, %add3A_133 : i32
      %lt3A_135 = arith.cmpi slt, %add3A_134, %select_n3A : i32
      %convert_element_type3A_136 = arith.extui %lt3A_135 : i1 to i32
      %cond3A_137 = arith.constant 0 : i32
      %cond3A_138 = arith.cmpi ne, %convert_element_type3A_136, %cond3A_137 : i32
      scf.if %cond3A_138 {
        %dma_wait3A_162 = arith.constant 0 : i32
        %dma_wait3A_163 = tpu.memref_slice %arg7[%dma_wait3A_162] : memref<512xi32, #tpu.memory_space<vmem>> -> memref<128xi32, #tpu.memory_space<vmem>>
        %dma_wait3A_164 = arith.constant 0 : i32
        %dma_wait3A_165 = tpu.memref_slice %arg3[%while3A_95, %while3A_96, %dma_wait3A_164] : memref<32x110x128xi32, #tpu.memory_space<hbm>> -> memref<1x1x128xi32, #tpu.memory_space<hbm>>
        %dma_wait3A_166 = tpu.memref_squeeze %dma_wait3A_165 : memref<1x1x128xi32, #tpu.memory_space<hbm>> -> memref<128xi32, #tpu.memory_space<hbm>>
        %dma_wait3A_167 = arith.constant 0 : i32
        %dma_wait3A_168 = tpu.memref_slice %arg7[%dma_wait3A_167] : memref<512xi32, #tpu.memory_space<vmem>> -> memref<128xi32, #tpu.memory_space<vmem>>
        %dma_wait3A_169 = arith.constant 0 : i32
        %dma_wait3A_170 = tpu.memref_slice %arg3[%while3A_95, %while3A_96, %dma_wait3A_169] : memref<32x110x128xi32, #tpu.memory_space<hbm>> -> memref<1x1x128xi32, #tpu.memory_space<hbm>>
        %dma_wait3A_171 = tpu.memref_squeeze %dma_wait3A_170 : memref<1x1x128xi32, #tpu.memory_space<hbm>> -> memref<128xi32, #tpu.memory_space<hbm>>
        tpu.wait_dma2 semaphore(%arg11 : memref<!tpu.dma_semaphore, #tpu.memory_space<semaphore_mem>>) src(%dma_wait3A_171 : memref<128xi32, #tpu.memory_space<hbm>>) dst(%dma_wait3A_168 : memref<128xi32, #tpu.memory_space<vmem>>)
        %dma_wait3A_172 = arith.constant 0 : i32
        %dma_wait3A_173 = tpu.memref_slice %arg8[%while3A_99, %dma_wait3A_172] : memref<4x128xi32, #tpu.memory_space<vmem>> -> memref<1x128xi32, #tpu.memory_space<vmem>>
        %dma_wait3A_174 = tpu.memref_squeeze %dma_wait3A_173 : memref<1x128xi32, #tpu.memory_space<vmem>> -> memref<128xi32, #tpu.memory_space<vmem>>
        %dma_wait3A_175 = arith.constant 0 : i32
        %dma_wait3A_176 = tpu.memref_slice %arg4[%while3A_97, %while3A_98, %dma_wait3A_175] : memref<32x110x128xi32, #tpu.memory_space<hbm>> -> memref<1x1x128xi32, #tpu.memory_space<hbm>>
        %dma_wait3A_177 = tpu.memref_squeeze %dma_wait3A_176 : memref<1x1x128xi32, #tpu.memory_space<hbm>> -> memref<128xi32, #tpu.memory_space<hbm>>
        %dma_wait3A_178 = arith.constant 0 : i32
        %dma_wait3A_179 = tpu.memref_slice %arg8[%while3A_99, %dma_wait3A_178] : memref<4x128xi32, #tpu.memory_space<vmem>> -> memref<1x128xi32, #tpu.memory_space<vmem>>
        %dma_wait3A_180 = tpu.memref_squeeze %dma_wait3A_179 : memref<1x128xi32, #tpu.memory_space<vmem>> -> memref<128xi32, #tpu.memory_space<vmem>>
        %dma_wait3A_181 = arith.constant 0 : i32
        %dma_wait3A_182 = tpu.memref_slice %arg4[%while3A_97, %while3A_98, %dma_wait3A_181] : memref<32x110x128xi32, #tpu.memory_space<hbm>> -> memref<1x1x128xi32, #tpu.memory_space<hbm>>
        %dma_wait3A_183 = tpu.memref_squeeze %dma_wait3A_182 : memref<1x1x128xi32, #tpu.memory_space<hbm>> -> memref<128xi32, #tpu.memory_space<hbm>>
        tpu.wait_dma2 semaphore(%arg11 : memref<!tpu.dma_semaphore, #tpu.memory_space<semaphore_mem>>) src(%dma_wait3A_183 : memref<128xi32, #tpu.memory_space<hbm>>) dst(%dma_wait3A_180 : memref<128xi32, #tpu.memory_space<vmem>>)
        %add3A_184 = arith.constant 2 : i32
        %add3A_185 = arith.addi %while3A_123, %add3A_184 : i32
        %rem3A_186 = arith.constant 4 : i32
        %rem3A_187 = arith.remsi %add3A_185, %rem3A_186 : i32
        %mul3A_188 = arith.constant 128 : i32
        %mul3A_189 = arith.muli %rem3A_187, %mul3A_188 : i32
        %add3A_190 = arith.constant 2 : i32
        %add3A_191 = arith.addi %while3A_123, %add3A_190 : i32
        %rem3A_192 = arith.constant 3 : i32
        %rem3A_193 = arith.remsi %add3A_191, %rem3A_192 : i32
        %mul3A_194 = arith.constant 128 : i32
        %mul3A_195 = arith.muli %rem3A_193, %mul3A_194 : i32
        %dma_start3A_196 = arith.constant 0 : i32
        %dma_start3A_197 = tpu.memref_slice %arg9[%mul3A_195, %dma_start3A_196] : memref<384x128xf32, #tpu.memory_space<vmem>> -> memref<128x128xf32, #tpu.memory_space<vmem>>
        %dma_start3A_198 = tpu.memref_slice %arg7[%mul3A_189] : memref<512xi32, #tpu.memory_space<vmem>> -> memref<128xi32, #tpu.memory_space<vmem>>
        %dma_start3A_199 = arith.constant 0 : i32
        %dma_start3A_200 = arith.constant 0 : i32
        %dma_start3A_201 = tpu.memref_slice %arg2[%dma_start3A_199, %dma_start3A_200] : memref<10000x128xf32, #tpu.memory_space<hbm>> -> memref<10000x128xf32, #tpu.memory_space<hbm>>
        tpu.enqueue_indirect_dma source(%dma_start3A_201 : memref<10000x128xf32, #tpu.memory_space<hbm>>) target(%dma_start3A_197 : memref<128x128xf32, #tpu.memory_space<vmem>>) offsets(%dma_start3A_198 : memref<128xi32, #tpu.memory_space<vmem>>) semaphore(%arg12 : memref<!tpu.dma_semaphore, #tpu.memory_space<semaphore_mem>>)
      } else {
      }
      %dma_wait3A_139 = arith.constant 0 : i32
      %dma_wait3A_140 = arith.constant 0 : i32
      %dma_wait3A_141 = tpu.memref_slice %arg9[%dma_wait3A_139, %dma_wait3A_140] : memref<384x128xf32, #tpu.memory_space<vmem>> -> memref<128x128xf32, #tpu.memory_space<vmem>>
      %dma_wait3A_142 = arith.constant 0 : i32
      %dma_wait3A_143 = tpu.memref_slice %arg7[%dma_wait3A_142] : memref<512xi32, #tpu.memory_space<vmem>> -> memref<128xi32, #tpu.memory_space<vmem>>
      %dma_wait3A_144 = arith.constant 0 : i32
      %dma_wait3A_145 = arith.constant 0 : i32
      %dma_wait3A_146 = tpu.memref_slice %arg2[%dma_wait3A_144, %dma_wait3A_145] : memref<10000x128xf32, #tpu.memory_space<hbm>> -> memref<10000x128xf32, #tpu.memory_space<hbm>>
      tpu.wait_indirect_dma semaphore(%arg12 : memref<!tpu.dma_semaphore, #tpu.memory_space<semaphore_mem>>) src(%dma_wait3A_146 : memref<10000x128xf32, #tpu.memory_space<hbm>>) dst(%dma_wait3A_141 : memref<128x128xf32, #tpu.memory_space<vmem>>)
      %rem3A_147 = arith.constant 3 : i32
      %rem3A_148 = arith.remsi %while3A_123, %rem3A_147 : i32
      %mul3A_149 = arith.constant 128 : i32
      %mul3A_150 = arith.muli %rem3A_148, %mul3A_149 : i32
      %rem3A_151 = arith.constant 4 : i32
      %rem3A_152 = arith.remsi %while3A_123, %rem3A_151 : i32
      %dma_start3A_153 = arith.constant 0 : i32
      %dma_start3A_154 = tpu.memref_slice %arg9[%mul3A_150, %dma_start3A_153] : memref<384x128xf32, #tpu.memory_space<vmem>> -> memref<128x128xf32, #tpu.memory_space<vmem>>
      %dma_start3A_155 = arith.constant 0 : i32
      %dma_start3A_156 = tpu.memref_slice %arg8[%rem3A_152, %dma_start3A_155] : memref<4x128xi32, #tpu.memory_space<vmem>> -> memref<1x128xi32, #tpu.memory_space<vmem>>
      %dma_start3A_157 = tpu.memref_squeeze %dma_start3A_156 : memref<1x128xi32, #tpu.memory_space<vmem>> -> memref<128xi32, #tpu.memory_space<vmem>>
      %dma_start3A_158 = arith.constant 0 : i32
      %dma_start3A_159 = arith.constant 0 : i32
      %dma_start3A_160 = tpu.memref_slice %arg10[%dma_start3A_158, %dma_start3A_159] : memref<10008x128xf32, #tpu.memory_space<vmem_shared>> -> memref<10008x128xf32, #tpu.memory_space<vmem_shared>>
      tpu.enqueue_indirect_dma source(%dma_start3A_154 : memref<128x128xf32, #tpu.memory_space<vmem>>) target(%dma_start3A_160 : memref<10008x128xf32, #tpu.memory_space<vmem_shared>>) offsets(%dma_start3A_157 : memref<128xi32, #tpu.memory_space<vmem>>) semaphore(%arg13 : memref<!tpu.dma_semaphore, #tpu.memory_space<semaphore_mem>>) {add = true}
      %while3A_161 = arith.constant 0 : i32
      scf.yield %while3A_161 : i32
    }
    %while3A_110 = arith.constant 1 : i32
    %while3A_111 = scf.for %while3A_123 = %while3A_107 to %while3A_103 step %while3A_110 iter_args(%while3A_124 = %while3A_109) -> (i32)  : i32 {
      %gt3A = arith.constant 0 : i32
      %gt3A_125 = arith.cmpi sgt, %while3A_123, %gt3A : i32
      %convert_element_type3A = arith.extui %gt3A_125 : i1 to i32
      %cond3A = arith.constant 0 : i32
      %cond3A_126 = arith.cmpi ne, %convert_element_type3A, %cond3A : i32
      scf.if %cond3A_126 {
        %dma_wait3A_162 = arith.constant 0 : i32
        %dma_wait3A_163 = arith.constant 0 : i32
        %dma_wait3A_164 = tpu.memref_slice %arg9[%dma_wait3A_162, %dma_wait3A_163] : memref<384x128xf32, #tpu.memory_space<vmem>> -> memref<128x128xf32, #tpu.memory_space<vmem>>
        %dma_wait3A_165 = arith.constant 0 : i32
        %dma_wait3A_166 = tpu.memref_slice %arg8[%while3A, %dma_wait3A_165] : memref<4x128xi32, #tpu.memory_space<vmem>> -> memref<1x128xi32, #tpu.memory_space<vmem>>
        %dma_wait3A_167 = tpu.memref_squeeze %dma_wait3A_166 : memref<1x128xi32, #tpu.memory_space<vmem>> -> memref<128xi32, #tpu.memory_space<vmem>>
        %dma_wait3A_168 = arith.constant 0 : i32
        %dma_wait3A_169 = arith.constant 0 : i32
        %dma_wait3A_170 = tpu.memref_slice %arg10[%dma_wait3A_168, %dma_wait3A_169] : memref<10008x128xf32, #tpu.memory_space<vmem_shared>> -> memref<10008x128xf32, #tpu.memory_space<vmem_shared>>
        tpu.wait_indirect_dma semaphore(%arg13 : memref<!tpu.dma_semaphore, #tpu.memory_space<semaphore_mem>>) src(%dma_wait3A_164 : memref<128x128xf32, #tpu.memory_space<vmem>>) dst(%dma_wait3A_170 : memref<10008x128xf32, #tpu.memory_space<vmem_shared>>)
      } else {
      }
      %add3A_127 = arith.constant 4 : i32
      %add3A_128 = arith.addi %while3A_123, %add3A_127 : i32
      %sub3A = arith.constant 1 : i32
      %sub3A_129 = arith.subi %add3A_128, %sub3A : i32
      %lt3A = arith.cmpi slt, %sub3A_129, %select_n3A : i32
      %convert_element_type3A_130 = arith.extui %lt3A : i1 to i32
      %cond3A_131 = arith.constant 0 : i32
      %cond3A_132 = arith.cmpi ne, %convert_element_type3A_130, %cond3A_131 : i32
      scf.if %cond3A_132 {
        %add3A_162 = arith.constant 4 : i32
        %add3A_163 = arith.addi %while3A_123, %add3A_162 : i32
        %sub3A_164 = arith.constant 1 : i32
        %sub3A_165 = arith.subi %add3A_163, %sub3A_164 : i32
        %rem3A_166 = arith.constant 4 : i32
        %rem3A_167 = arith.remsi %sub3A_165, %rem3A_166 : i32
        %mul3A_168 = arith.constant 128 : i32
        %mul3A_169 = arith.muli %rem3A_167, %mul3A_168 : i32
        %dma_start3A_170 = tpu.memref_slice %arg7[%mul3A_169] : memref<512xi32, #tpu.memory_space<vmem>> -> memref<128xi32, #tpu.memory_space<vmem>>
        %dma_start3A_171 = arith.constant 0 : i32
        %dma_start3A_172 = tpu.memref_slice %arg3[%add3A, %sub3A_165, %dma_start3A_171] : memref<32x110x128xi32, #tpu.memory_space<hbm>> -> memref<1x1x128xi32, #tpu.memory_space<hbm>>
        %dma_start3A_173 = tpu.memref_squeeze %dma_start3A_172 : memref<1x1x128xi32, #tpu.memory_space<hbm>> -> memref<128xi32, #tpu.memory_space<hbm>>
        %dma_start3A_174 = tpu.memref_slice %arg7[%mul3A_169] : memref<512xi32, #tpu.memory_space<vmem>> -> memref<128xi32, #tpu.memory_space<vmem>>
        %dma_start3A_175 = arith.constant 0 : i32
        %dma_start3A_176 = tpu.memref_slice %arg3[%add3A, %sub3A_165, %dma_start3A_175] : memref<32x110x128xi32, #tpu.memory_space<hbm>> -> memref<1x1x128xi32, #tpu.memory_space<hbm>>
        %dma_start3A_177 = tpu.memref_squeeze %dma_start3A_176 : memref<1x1x128xi32, #tpu.memory_space<hbm>> -> memref<128xi32, #tpu.memory_space<hbm>>
        tpu.enqueue_dma source(%dma_start3A_177 : memref<128xi32, #tpu.memory_space<hbm>>) target(%dma_start3A_174 : memref<128xi32, #tpu.memory_space<vmem>>) target_semaphore(%arg11 : memref<!tpu.dma_semaphore, #tpu.memory_space<semaphore_mem>>)
        %rem3A_178 = arith.constant 4 : i32
        %rem3A_179 = arith.remsi %sub3A_165, %rem3A_178 : i32
        %dma_start3A_180 = arith.constant 0 : i32
        %dma_start3A_181 = tpu.memref_slice %arg8[%rem3A_179, %dma_start3A_180] : memref<4x128xi32, #tpu.memory_space<vmem>> -> memref<1x128xi32, #tpu.memory_space<vmem>>
        %dma_start3A_182 = tpu.memref_squeeze %dma_start3A_181 : memref<1x128xi32, #tpu.memory_space<vmem>> -> memref<128xi32, #tpu.memory_space<vmem>>
        %dma_start3A_183 = arith.constant 0 : i32
        %dma_start3A_184 = tpu.memref_slice %arg4[%add3A, %sub3A_165, %dma_start3A_183] : memref<32x110x128xi32, #tpu.memory_space<hbm>> -> memref<1x1x128xi32, #tpu.memory_space<hbm>>
        %dma_start3A_185 = tpu.memref_squeeze %dma_start3A_184 : memref<1x1x128xi32, #tpu.memory_space<hbm>> -> memref<128xi32, #tpu.memory_space<hbm>>
        %dma_start3A_186 = arith.constant 0 : i32
        %dma_start3A_187 = tpu.memref_slice %arg8[%rem3A_179, %dma_start3A_186] : memref<4x128xi32, #tpu.memory_space<vmem>> -> memref<1x128xi32, #tpu.memory_space<vmem>>
        %dma_start3A_188 = tpu.memref_squeeze %dma_start3A_187 : memref<1x128xi32, #tpu.memory_space<vmem>> -> memref<128xi32, #tpu.memory_space<vmem>>
        %dma_start3A_189 = arith.constant 0 : i32
        %dma_start3A_190 = tpu.memref_slice %arg4[%add3A, %sub3A_165, %dma_start3A_189] : memref<32x110x128xi32, #tpu.memory_space<hbm>> -> memref<1x1x128xi32, #tpu.memory_space<hbm>>
        %dma_start3A_191 = tpu.memref_squeeze %dma_start3A_190 : memref<1x1x128xi32, #tpu.memory_space<hbm>> -> memref<128xi32, #tpu.memory_space<hbm>>
        tpu.enqueue_dma source(%dma_start3A_191 : memref<128xi32, #tpu.memory_space<hbm>>) target(%dma_start3A_188 : memref<128xi32, #tpu.memory_space<vmem>>) target_semaphore(%arg11 : memref<!tpu.dma_semaphore, #tpu.memory_space<semaphore_mem>>)
      } else {
      }
      %add3A_133 = arith.constant 2 : i32
      %add3A_134 = arith.addi %while3A_123, %add3A_133 : i32
      %lt3A_135 = arith.cmpi slt, %add3A_134, %select_n3A : i32
      %convert_element_type3A_136 = arith.extui %lt3A_135 : i1 to i32
      %cond3A_137 = arith.constant 0 : i32
      %cond3A_138 = arith.cmpi ne, %convert_element_type3A_136, %cond3A_137 : i32
      scf.if %cond3A_138 {
        %dma_wait3A_162 = arith.constant 0 : i32
        %dma_wait3A_163 = tpu.memref_slice %arg7[%dma_wait3A_162] : memref<512xi32, #tpu.memory_space<vmem>> -> memref<128xi32, #tpu.memory_space<vmem>>
        %dma_wait3A_164 = arith.constant 0 : i32
        %dma_wait3A_165 = tpu.memref_slice %arg3[%while3A_95, %while3A_96, %dma_wait3A_164] : memref<32x110x128xi32, #tpu.memory_space<hbm>> -> memref<1x1x128xi32, #tpu.memory_space<hbm>>
        %dma_wait3A_166 = tpu.memref_squeeze %dma_wait3A_165 : memref<1x1x128xi32, #tpu.memory_space<hbm>> -> memref<128xi32, #tpu.memory_space<hbm>>
        %dma_wait3A_167 = arith.constant 0 : i32
        %dma_wait3A_168 = tpu.memref_slice %arg7[%dma_wait3A_167] : memref<512xi32, #tpu.memory_space<vmem>> -> memref<128xi32, #tpu.memory_space<vmem>>
        %dma_wait3A_169 = arith.constant 0 : i32
        %dma_wait3A_170 = tpu.memref_slice %arg3[%while3A_95, %while3A_96, %dma_wait3A_169] : memref<32x110x128xi32, #tpu.memory_space<hbm>> -> memref<1x1x128xi32, #tpu.memory_space<hbm>>
        %dma_wait3A_171 = tpu.memref_squeeze %dma_wait3A_170 : memref<1x1x128xi32, #tpu.memory_space<hbm>> -> memref<128xi32, #tpu.memory_space<hbm>>
        tpu.wait_dma2 semaphore(%arg11 : memref<!tpu.dma_semaphore, #tpu.memory_space<semaphore_mem>>) src(%dma_wait3A_171 : memref<128xi32, #tpu.memory_space<hbm>>) dst(%dma_wait3A_168 : memref<128xi32, #tpu.memory_space<vmem>>)
        %dma_wait3A_172 = arith.constant 0 : i32
        %dma_wait3A_173 = tpu.memref_slice %arg8[%while3A_99, %dma_wait3A_172] : memref<4x128xi32, #tpu.memory_space<vmem>> -> memref<1x128xi32, #tpu.memory_space<vmem>>
        %dma_wait3A_174 = tpu.memref_squeeze %dma_wait3A_173 : memref<1x128xi32, #tpu.memory_space<vmem>> -> memref<128xi32, #tpu.memory_space<vmem>>
        %dma_wait3A_175 = arith.constant 0 : i32
        %dma_wait3A_176 = tpu.memref_slice %arg4[%while3A_97, %while3A_98, %dma_wait3A_175] : memref<32x110x128xi32, #tpu.memory_space<hbm>> -> memref<1x1x128xi32, #tpu.memory_space<hbm>>
        %dma_wait3A_177 = tpu.memref_squeeze %dma_wait3A_176 : memref<1x1x128xi32, #tpu.memory_space<hbm>> -> memref<128xi32, #tpu.memory_space<hbm>>
        %dma_wait3A_178 = arith.constant 0 : i32
        %dma_wait3A_179 = tpu.memref_slice %arg8[%while3A_99, %dma_wait3A_178] : memref<4x128xi32, #tpu.memory_space<vmem>> -> memref<1x128xi32, #tpu.memory_space<vmem>>
        %dma_wait3A_180 = tpu.memref_squeeze %dma_wait3A_179 : memref<1x128xi32, #tpu.memory_space<vmem>> -> memref<128xi32, #tpu.memory_space<vmem>>
        %dma_wait3A_181 = arith.constant 0 : i32
        %dma_wait3A_182 = tpu.memref_slice %arg4[%while3A_97, %while3A_98, %dma_wait3A_181] : memref<32x110x128xi32, #tpu.memory_space<hbm>> -> memref<1x1x128xi32, #tpu.memory_space<hbm>>
        %dma_wait3A_183 = tpu.memref_squeeze %dma_wait3A_182 : memref<1x1x128xi32, #tpu.memory_space<hbm>> -> memref<128xi32, #tpu.memory_space<hbm>>
        tpu.wait_dma2 semaphore(%arg11 : memref<!tpu.dma_semaphore, #tpu.memory_space<semaphore_mem>>) src(%dma_wait3A_183 : memref<128xi32, #tpu.memory_space<hbm>>) dst(%dma_wait3A_180 : memref<128xi32, #tpu.memory_space<vmem>>)
        %add3A_184 = arith.constant 2 : i32
        %add3A_185 = arith.addi %while3A_123, %add3A_184 : i32
        %rem3A_186 = arith.constant 4 : i32
        %rem3A_187 = arith.remsi %add3A_185, %rem3A_186 : i32
        %mul3A_188 = arith.constant 128 : i32
        %mul3A_189 = arith.muli %rem3A_187, %mul3A_188 : i32
        %add3A_190 = arith.constant 2 : i32
        %add3A_191 = arith.addi %while3A_123, %add3A_190 : i32
        %rem3A_192 = arith.constant 3 : i32
        %rem3A_193 = arith.remsi %add3A_191, %rem3A_192 : i32
        %mul3A_194 = arith.constant 128 : i32
        %mul3A_195 = arith.muli %rem3A_193, %mul3A_194 : i32
        %dma_start3A_196 = arith.constant 0 : i32
        %dma_start3A_197 = tpu.memref_slice %arg9[%mul3A_195, %dma_start3A_196] : memref<384x128xf32, #tpu.memory_space<vmem>> -> memref<128x128xf32, #tpu.memory_space<vmem>>
        %dma_start3A_198 = tpu.memref_slice %arg7[%mul3A_189] : memref<512xi32, #tpu.memory_space<vmem>> -> memref<128xi32, #tpu.memory_space<vmem>>
        %dma_start3A_199 = arith.constant 0 : i32
        %dma_start3A_200 = arith.constant 0 : i32
        %dma_start3A_201 = tpu.memref_slice %arg2[%dma_start3A_199, %dma_start3A_200] : memref<10000x128xf32, #tpu.memory_space<hbm>> -> memref<10000x128xf32, #tpu.memory_space<hbm>>
        tpu.enqueue_indirect_dma source(%dma_start3A_201 : memref<10000x128xf32, #tpu.memory_space<hbm>>) target(%dma_start3A_197 : memref<128x128xf32, #tpu.memory_space<vmem>>) offsets(%dma_start3A_198 : memref<128xi32, #tpu.memory_space<vmem>>) semaphore(%arg12 : memref<!tpu.dma_semaphore, #tpu.memory_space<semaphore_mem>>)
      } else {
      }
      %dma_wait3A_139 = arith.constant 0 : i32
      %dma_wait3A_140 = arith.constant 0 : i32
      %dma_wait3A_141 = tpu.memref_slice %arg9[%dma_wait3A_139, %dma_wait3A_140] : memref<384x128xf32, #tpu.memory_space<vmem>> -> memref<128x128xf32, #tpu.memory_space<vmem>>
      %dma_wait3A_142 = arith.constant 0 : i32
      %dma_wait3A_143 = tpu.memref_slice %arg7[%dma_wait3A_142] : memref<512xi32, #tpu.memory_space<vmem>> -> memref<128xi32, #tpu.memory_space<vmem>>
      %dma_wait3A_144 = arith.constant 0 : i32
      %dma_wait3A_145 = arith.constant 0 : i32
      %dma_wait3A_146 = tpu.memref_slice %arg2[%dma_wait3A_144, %dma_wait3A_145] : memref<10000x128xf32, #tpu.memory_space<hbm>> -> memref<10000x128xf32, #tpu.memory_space<hbm>>
      tpu.wait_indirect_dma semaphore(%arg12 : memref<!tpu.dma_semaphore, #tpu.memory_space<semaphore_mem>>) src(%dma_wait3A_146 : memref<10000x128xf32, #tpu.memory_space<hbm>>) dst(%dma_wait3A_141 : memref<128x128xf32, #tpu.memory_space<vmem>>)
      %rem3A_147 = arith.constant 3 : i32
      %rem3A_148 = arith.remsi %while3A_123, %rem3A_147 : i32
      %mul3A_149 = arith.constant 128 : i32
      %mul3A_150 = arith.muli %rem3A_148, %mul3A_149 : i32
      %rem3A_151 = arith.constant 4 : i32
      %rem3A_152 = arith.remsi %while3A_123, %rem3A_151 : i32
      %dma_start3A_153 = arith.constant 0 : i32
      %dma_start3A_154 = tpu.memref_slice %arg9[%mul3A_150, %dma_start3A_153] : memref<384x128xf32, #tpu.memory_space<vmem>> -> memref<128x128xf32, #tpu.memory_space<vmem>>
      %dma_start3A_155 = arith.constant 0 : i32
      %dma_start3A_156 = tpu.memref_slice %arg8[%rem3A_152, %dma_start3A_155] : memref<4x128xi32, #tpu.memory_space<vmem>> -> memref<1x128xi32, #tpu.memory_space<vmem>>
      %dma_start3A_157 = tpu.memref_squeeze %dma_start3A_156 : memref<1x128xi32, #tpu.memory_space<vmem>> -> memref<128xi32, #tpu.memory_space<vmem>>
      %dma_start3A_158 = arith.constant 0 : i32
      %dma_start3A_159 = arith.constant 0 : i32
      %dma_start3A_160 = tpu.memref_slice %arg10[%dma_start3A_158, %dma_start3A_159] : memref<10008x128xf32, #tpu.memory_space<vmem_shared>> -> memref<10008x128xf32, #tpu.memory_space<vmem_shared>>
      tpu.enqueue_indirect_dma source(%dma_start3A_154 : memref<128x128xf32, #tpu.memory_space<vmem>>) target(%dma_start3A_160 : memref<10008x128xf32, #tpu.memory_space<vmem_shared>>) offsets(%dma_start3A_157 : memref<128xi32, #tpu.memory_space<vmem>>) semaphore(%arg13 : memref<!tpu.dma_semaphore, #tpu.memory_space<semaphore_mem>>) {add = true}
      %while3A_161 = arith.constant 0 : i32
      scf.yield %while3A_161 : i32
    }
    %dma_wait3A_112 = arith.constant 0 : i32
    %dma_wait3A_113 = arith.constant 0 : i32
    %dma_wait3A_114 = arith.constant 0 : i32
    %dma_wait3A_115 = tpu.memref_slice %arg9[%dma_wait3A_113, %dma_wait3A_114] : memref<384x128xf32, #tpu.memory_space<vmem>> -> memref<128x128xf32, #tpu.memory_space<vmem>>
    %dma_wait3A_116 = arith.constant 0 : i32
    %dma_wait3A_117 = tpu.memref_slice %arg8[%dma_wait3A_112, %dma_wait3A_116] : memref<4x128xi32, #tpu.memory_space<vmem>> -> memref<1x128xi32, #tpu.memory_space<vmem>>
    %dma_wait3A_118 = tpu.memref_squeeze %dma_wait3A_117 : memref<1x128xi32, #tpu.memory_space<vmem>> -> memref<128xi32, #tpu.memory_space<vmem>>
    %dma_wait3A_119 = arith.constant 0 : i32
    %dma_wait3A_120 = arith.constant 0 : i32
    %dma_wait3A_121 = tpu.memref_slice %arg10[%dma_wait3A_119, %dma_wait3A_120] : memref<10008x128xf32, #tpu.memory_space<vmem_shared>> -> memref<10008x128xf32, #tpu.memory_space<vmem_shared>>
    tpu.wait_indirect_dma semaphore(%arg13 : memref<!tpu.dma_semaphore, #tpu.memory_space<semaphore_mem>>) src(%dma_wait3A_115 : memref<128x128xf32, #tpu.memory_space<vmem>>) dst(%dma_wait3A_121 : memref<10008x128xf32, #tpu.memory_space<vmem_shared>>)
    %barrier3A_122 = arith.constant 0 : index
    tpu.barrier barrier_id(%barrier3A_122)
    "tpu.region"() ({
      %run_scoped3A = tpu.sem_alloc : memref<!tpu.dma_semaphore, #tpu.memory_space<semaphore_mem>>
      %dma_start3A_123 = arith.constant 0 : i32
      %dma_start3A_124 = tpu.memref_slice %arg6[%arg0, %min3A_5, %dma_start3A_123] : memref<2x10008x128xf32, #tpu.memory_space<hbm>> -> memref<1x632x128xf32, #tpu.memory_space<hbm>>
      %dma_start3A_125 = tpu.memref_squeeze %dma_start3A_124 : memref<1x632x128xf32, #tpu.memory_space<hbm>> -> memref<632x128xf32, #tpu.memory_space<hbm>>
      %dma_start3A_126 = arith.constant 0 : i32
      %dma_start3A_127 = tpu.memref_slice %arg10[%min3A_5, %dma_start3A_126] : memref<10008x128xf32, #tpu.memory_space<vmem_shared>> -> memref<632x128xf32, #tpu.memory_space<vmem_shared>>
      tpu.enqueue_dma source(%dma_start3A_127 : memref<632x128xf32, #tpu.memory_space<vmem_shared>>) target(%dma_start3A_125 : memref<632x128xf32, #tpu.memory_space<hbm>>) target_semaphore(%run_scoped3A : memref<!tpu.dma_semaphore, #tpu.memory_space<semaphore_mem>>)
      %dma_wait3A_128 = arith.constant 0 : i32
      %dma_wait3A_129 = tpu.memref_slice %arg6[%arg0, %min3A_5, %dma_wait3A_128] : memref<2x10008x128xf32, #tpu.memory_space<hbm>> -> memref<1x632x128xf32, #tpu.memory_space<hbm>>
      %dma_wait3A_130 = tpu.memref_squeeze %dma_wait3A_129 : memref<1x632x128xf32, #tpu.memory_space<hbm>> -> memref<632x128xf32, #tpu.memory_space<hbm>>
      %dma_wait3A_131 = arith.constant 0 : i32
      %dma_wait3A_132 = tpu.memref_slice %arg10[%min3A_5, %dma_wait3A_131] : memref<10008x128xf32, #tpu.memory_space<vmem_shared>> -> memref<632x128xf32, #tpu.memory_space<vmem_shared>>
      tpu.wait_dma2 semaphore(%run_scoped3A : memref<!tpu.dma_semaphore, #tpu.memory_space<semaphore_mem>>) src(%dma_wait3A_132 : memref<632x128xf32, #tpu.memory_space<vmem_shared>>) dst(%dma_wait3A_130 : memref<632x128xf32, #tpu.memory_space<hbm>>)
      tpu.yield
    }) : () -> ()
    return
  }
}

module attributes {stable_mosaic.version = 14 : i64} {
  func.func @_tc_final_body(%arg0: i32, %arg1: memref<2x1000x128xf32, #tpu.memory_space<vmem>>, %arg2: memref<2x1000x128xf32, #tpu.memory_space<vmem>>, %arg3: memref<1000x128xf32, #tpu.memory_space<vmem>>, %arg4: memref<128x128xf32, #tpu.memory_space<vmem>>, %arg5: memref<1x128xf32, #tpu.memory_space<vmem>>, %arg6: memref<128x128xf32, #tpu.memory_space<vmem>>, %arg7: memref<128x1xf32, #tpu.memory_space<vmem>>, %arg8: memref<1x1xf32, #tpu.memory_space<vmem>>, %arg9: memref<1000x1xf32, #tpu.memory_space<vmem>>) attributes {dimension_semantics = [#tpu.dimension_semantics<arbitrary>], iteration_bounds = array<i64: 10>, scalar_prefetch = 0 : i64, scratch_operands = 0 : i64, tpu.core_type = #tpu.core_type<tc>, window_params = [{transform_indices = @transform_0, window_bounds = array<i64: 2, 1000, 128>}, {transform_indices = @transform_1, window_bounds = array<i64: 2, 1000, 128>}, {transform_indices = @transform_2, window_bounds = array<i64: 1000, 128>}, {pipeline_mode = #tpu.pipeline_mode<synchronous>, transform_indices = @transform_3, window_bounds = array<i64: 128, 128>}, {pipeline_mode = #tpu.pipeline_mode<synchronous>, transform_indices = @transform_4, window_bounds = array<i64: 1, 128>}, {pipeline_mode = #tpu.pipeline_mode<synchronous>, transform_indices = @transform_5, window_bounds = array<i64: 128, 128>}, {pipeline_mode = #tpu.pipeline_mode<synchronous>, transform_indices = @transform_6, window_bounds = array<i64: 128, 1>}, {pipeline_mode = #tpu.pipeline_mode<synchronous>, transform_indices = @transform_7, window_bounds = array<i64: 1, 1>}, {transform_indices = @transform_8, window_bounds = array<i64: 1000, 1>}]} {
    %get3A = arith.constant 0 : index
    %get3A_0 = arith.constant 0 : index
    %get3A_1 = arith.constant 0 : index
    %get3A_2 = vector.load %arg1[%get3A, %get3A_0, %get3A_1] : memref<2x1000x128xf32, #tpu.memory_space<vmem>>, vector<1x1000x128xf32>
    %get3A_3 = vector.shape_cast %get3A_2 : vector<1x1000x128xf32> to vector<1000x128xf32>
    %get3A_4 = arith.constant 1 : index
    %get3A_5 = arith.constant 0 : index
    %get3A_6 = arith.constant 0 : index
    %get3A_7 = vector.load %arg1[%get3A_4, %get3A_5, %get3A_6] : memref<2x1000x128xf32, #tpu.memory_space<vmem>>, vector<1x1000x128xf32>
    %get3A_8 = vector.shape_cast %get3A_7 : vector<1x1000x128xf32> to vector<1000x128xf32>
    %add3A = arith.addf %get3A_3, %get3A_8 : vector<1000x128xf32>
    %get3A_9 = arith.constant 0 : index
    %get3A_10 = arith.constant 0 : index
    %get3A_11 = arith.constant 0 : index
    %get3A_12 = vector.load %arg2[%get3A_9, %get3A_10, %get3A_11] : memref<2x1000x128xf32, #tpu.memory_space<vmem>>, vector<1x1000x1xf32>
    %get3A_13 = vector.shape_cast %get3A_12 : vector<1x1000x1xf32> to vector<1000x1xf32>
    %get3A_14 = arith.constant 1 : index
    %get3A_15 = arith.constant 0 : index
    %get3A_16 = arith.constant 0 : index
    %get3A_17 = vector.load %arg2[%get3A_14, %get3A_15, %get3A_16] : memref<2x1000x128xf32, #tpu.memory_space<vmem>>, vector<1x1000x1xf32>
    %get3A_18 = vector.shape_cast %get3A_17 : vector<1x1000x1xf32> to vector<1000x1xf32>
    %add3A_19 = arith.addf %get3A_13, %get3A_18 : vector<1000x1xf32>
    %max3A = arith.constant 1.000000e+00 : f32
    %max3A_20 = vector.broadcast %max3A : f32 to vector<1000x1xf32>
    %max3A_21 = arith.maximumf %add3A_19, %max3A_20 : vector<1000x1xf32>
    %div3A = vector.broadcast %max3A_21 : vector<1000x1xf32> to vector<1000x128xf32>
    %div3A_22 = arith.divf %add3A, %div3A : vector<1000x128xf32>
    %get3A_23 = arith.constant 0 : index
    %get3A_24 = arith.constant 0 : index
    %get3A_25 = vector.load %arg4[%get3A_23, %get3A_24] : memref<128x128xf32, #tpu.memory_space<vmem>>, vector<128x128xf32>
    %dot_general3A = arith.constant dense<0.000000e+00> : vector<1000x128xf32>
    %dot_general3A_26 = tpu.matmul %div3A_22, %get3A_25, %dot_general3A {dimension_numbers = #tpu.dot_dimension_numbers<[1], [0], [0], [1], [0, 0, 1, 1], [], []>, transpose_lhs_hint = false} : vector<1000x128xf32>, vector<128x128xf32>, vector<1000x128xf32> -> vector<1000x128xf32>
    %get3A_27 = arith.constant 0 : index
    %get3A_28 = arith.constant 0 : index
    %get3A_29 = vector.load %arg5[%get3A_27, %get3A_28] : memref<1x128xf32, #tpu.memory_space<vmem>>, vector<1x128xf32>
    %add3A_30 = vector.broadcast %get3A_29 : vector<1x128xf32> to vector<1000x128xf32>
    %add3A_31 = arith.addf %dot_general3A_26, %add3A_30 : vector<1000x128xf32>
    %get3A_32 = arith.constant 0 : index
    %get3A_33 = arith.constant 0 : index
    %get3A_34 = vector.load %arg3[%get3A_32, %get3A_33] : memref<1000x128xf32, #tpu.memory_space<vmem>>, vector<1000x128xf32>
    %get3A_35 = arith.constant 0 : index
    %get3A_36 = arith.constant 0 : index
    %get3A_37 = vector.load %arg6[%get3A_35, %get3A_36] : memref<128x128xf32, #tpu.memory_space<vmem>>, vector<128x128xf32>
    %dot_general3A_38 = arith.constant dense<0.000000e+00> : vector<1000x128xf32>
    %dot_general3A_39 = tpu.matmul %get3A_34, %get3A_37, %dot_general3A_38 {dimension_numbers = #tpu.dot_dimension_numbers<[1], [0], [0], [1], [0, 0, 1, 1], [], []>, transpose_lhs_hint = false} : vector<1000x128xf32>, vector<128x128xf32>, vector<1000x128xf32> -> vector<1000x128xf32>
    %add3A_40 = arith.addf %add3A_31, %dot_general3A_39 : vector<1000x128xf32>
    %max3A_41 = arith.constant 0.000000e+00 : f32
    %max3A_42 = vector.broadcast %max3A_41 : f32 to vector<1000x128xf32>
    %max3A_43 = arith.maximumf %add3A_40, %max3A_42 : vector<1000x128xf32>
    %get3A_44 = arith.constant 0 : index
    %get3A_45 = arith.constant 0 : index
    %get3A_46 = vector.load %arg7[%get3A_44, %get3A_45] : memref<128x1xf32, #tpu.memory_space<vmem>>, vector<128x1xf32>
    %dot_general3A_47 = arith.constant dense<0.000000e+00> : vector<1000x1xf32>
    %dot_general3A_48 = tpu.matmul %max3A_43, %get3A_46, %dot_general3A_47 {dimension_numbers = #tpu.dot_dimension_numbers<[1], [0], [0], [1], [0, 0, 1, 1], [], []>, transpose_lhs_hint = false} : vector<1000x128xf32>, vector<128x1xf32>, vector<1000x1xf32> -> vector<1000x1xf32>
    %get3A_49 = arith.constant 0 : index
    %get3A_50 = arith.constant 0 : index
    %get3A_51 = vector.load %arg8[%get3A_49, %get3A_50] : memref<1x1xf32, #tpu.memory_space<vmem>>, vector<1x1xf32>
    %add3A_52 = vector.broadcast %get3A_51 : vector<1x1xf32> to vector<1000x1xf32>
    %add3A_53 = arith.addf %dot_general3A_48, %add3A_52 : vector<1000x1xf32>
    %swap3A = arith.constant 0 : index
    %swap3A_54 = arith.constant 0 : index
    %swap3A_55 = vector.load %arg9[%swap3A, %swap3A_54] : memref<1000x1xf32, #tpu.memory_space<vmem>>, vector<1000x1xf32>
    tpu.vector_store %arg9[%swap3A, %swap3A_54], %add3A_53 {strides = array<i32>} : memref<1000x1xf32, #tpu.memory_space<vmem>>, vector<1000x1xf32>,
    return
  }
  func.func @transform_0(%arg0: i32) -> (i32, i32, i32) {
    %c0_i32 = arith.constant 0 : i32
    %c0_i32_0 = arith.constant 0 : i32
    %c0_i32_1 = arith.constant 0 : i32
    return %c0_i32, %arg0, %c0_i32_0 : i32, i32, i32
  }
  func.func @transform_1(%arg0: i32) -> (i32, i32, i32) {
    %c0_i32 = arith.constant 0 : i32
    %c0_i32_0 = arith.constant 0 : i32
    %c0_i32_1 = arith.constant 0 : i32
    return %c0_i32, %arg0, %c0_i32_0 : i32, i32, i32
  }
  func.func @transform_2(%arg0: i32) -> (i32, i32) {
    %c0_i32 = arith.constant 0 : i32
    %c0_i32_0 = arith.constant 0 : i32
    return %arg0, %c0_i32 : i32, i32
  }
  func.func @transform_3(%arg0: i32) -> (i32, i32) {
    %c0_i32 = arith.constant 0 : i32
    %c0_i32_0 = arith.constant 0 : i32
    %c0_i32_1 = arith.constant 0 : i32
    return %c0_i32, %c0_i32_0 : i32, i32
  }
  func.func @transform_4(%arg0: i32) -> (i32, i32) {
    %c0_i32 = arith.constant 0 : i32
    %c0_i32_0 = arith.constant 0 : i32
    %c0_i32_1 = arith.constant 0 : i32
    return %c0_i32, %c0_i32_0 : i32, i32
  }
  func.func @transform_5(%arg0: i32) -> (i32, i32) {
    %c0_i32 = arith.constant 0 : i32
    %c0_i32_0 = arith.constant 0 : i32
    %c0_i32_1 = arith.constant 0 : i32
    return %c0_i32, %c0_i32_0 : i32, i32
  }
  func.func @transform_6(%arg0: i32) -> (i32, i32) {
    %c0_i32 = arith.constant 0 : i32
    %c0_i32_0 = arith.constant 0 : i32
    %c0_i32_1 = arith.constant 0 : i32
    return %c0_i32, %c0_i32_0 : i32, i32
  }
  func.func @transform_7(%arg0: i32) -> (i32, i32) {
    %c0_i32 = arith.constant 0 : i32
    %c0_i32_0 = arith.constant 0 : i32
    %c0_i32_1 = arith.constant 0 : i32
    return %c0_i32, %c0_i32_0 : i32, i32
  }
  func.func @transform_8(%arg0: i32) -> (i32, i32) {
    %c0_i32 = arith.constant 0 : i32
    %c0_i32_0 = arith.constant 0 : i32
    return %arg0, %c0_i32 : i32, i32
  }
}

module attributes {stable_mosaic.version = 14 : i64} {
  func.func @_tc_layer_body(%arg0: i32, %arg1: memref<2x1000x128xf32, #tpu.memory_space<vmem>>, %arg2: memref<2x1000x128xf32, #tpu.memory_space<vmem>>, %arg3: memref<1000x128xf32, #tpu.memory_space<vmem>>, %arg4: memref<128x128xf32, #tpu.memory_space<vmem>>, %arg5: memref<1x128xf32, #tpu.memory_space<vmem>>, %arg6: memref<128x128xf32, #tpu.memory_space<vmem>>, %arg7: memref<1000x128xf32, #tpu.memory_space<vmem>>) attributes {dimension_semantics = [#tpu.dimension_semantics<arbitrary>], iteration_bounds = array<i64: 10>, scalar_prefetch = 0 : i64, scratch_operands = 0 : i64, tpu.core_type = #tpu.core_type<tc>, window_params = [{transform_indices = @transform_0, window_bounds = array<i64: 2, 1000, 128>}, {transform_indices = @transform_1, window_bounds = array<i64: 2, 1000, 128>}, {transform_indices = @transform_2, window_bounds = array<i64: 1000, 128>}, {pipeline_mode = #tpu.pipeline_mode<synchronous>, transform_indices = @transform_3, window_bounds = array<i64: 128, 128>}, {pipeline_mode = #tpu.pipeline_mode<synchronous>, transform_indices = @transform_4, window_bounds = array<i64: 1, 128>}, {pipeline_mode = #tpu.pipeline_mode<synchronous>, transform_indices = @transform_5, window_bounds = array<i64: 128, 128>}, {transform_indices = @transform_6, window_bounds = array<i64: 1000, 128>}]} {
    %get3A = arith.constant 0 : index
    %get3A_0 = arith.constant 0 : index
    %get3A_1 = arith.constant 0 : index
    %get3A_2 = vector.load %arg1[%get3A, %get3A_0, %get3A_1] : memref<2x1000x128xf32, #tpu.memory_space<vmem>>, vector<1x1000x128xf32>
    %get3A_3 = vector.shape_cast %get3A_2 : vector<1x1000x128xf32> to vector<1000x128xf32>
    %get3A_4 = arith.constant 1 : index
    %get3A_5 = arith.constant 0 : index
    %get3A_6 = arith.constant 0 : index
    %get3A_7 = vector.load %arg1[%get3A_4, %get3A_5, %get3A_6] : memref<2x1000x128xf32, #tpu.memory_space<vmem>>, vector<1x1000x128xf32>
    %get3A_8 = vector.shape_cast %get3A_7 : vector<1x1000x128xf32> to vector<1000x128xf32>
    %add3A = arith.addf %get3A_3, %get3A_8 : vector<1000x128xf32>
    %get3A_9 = arith.constant 0 : index
    %get3A_10 = arith.constant 0 : index
    %get3A_11 = arith.constant 0 : index
    %get3A_12 = vector.load %arg2[%get3A_9, %get3A_10, %get3A_11] : memref<2x1000x128xf32, #tpu.memory_space<vmem>>, vector<1x1000x1xf32>
    %get3A_13 = vector.shape_cast %get3A_12 : vector<1x1000x1xf32> to vector<1000x1xf32>
    %get3A_14 = arith.constant 1 : index
    %get3A_15 = arith.constant 0 : index
    %get3A_16 = arith.constant 0 : index
    %get3A_17 = vector.load %arg2[%get3A_14, %get3A_15, %get3A_16] : memref<2x1000x128xf32, #tpu.memory_space<vmem>>, vector<1x1000x1xf32>
    %get3A_18 = vector.shape_cast %get3A_17 : vector<1x1000x1xf32> to vector<1000x1xf32>
    %add3A_19 = arith.addf %get3A_13, %get3A_18 : vector<1000x1xf32>
    %max3A = arith.constant 1.000000e+00 : f32
    %max3A_20 = vector.broadcast %max3A : f32 to vector<1000x1xf32>
    %max3A_21 = arith.maximumf %add3A_19, %max3A_20 : vector<1000x1xf32>
    %div3A = vector.broadcast %max3A_21 : vector<1000x1xf32> to vector<1000x128xf32>
    %div3A_22 = arith.divf %add3A, %div3A : vector<1000x128xf32>
    %get3A_23 = arith.constant 0 : index
    %get3A_24 = arith.constant 0 : index
    %get3A_25 = vector.load %arg4[%get3A_23, %get3A_24] : memref<128x128xf32, #tpu.memory_space<vmem>>, vector<128x128xf32>
    %dot_general3A = arith.constant dense<0.000000e+00> : vector<1000x128xf32>
    %dot_general3A_26 = tpu.matmul %div3A_22, %get3A_25, %dot_general3A {dimension_numbers = #tpu.dot_dimension_numbers<[1], [0], [0], [1], [0, 0, 1, 1], [], []>, transpose_lhs_hint = false} : vector<1000x128xf32>, vector<128x128xf32>, vector<1000x128xf32> -> vector<1000x128xf32>
    %get3A_27 = arith.constant 0 : index
    %get3A_28 = arith.constant 0 : index
    %get3A_29 = vector.load %arg5[%get3A_27, %get3A_28] : memref<1x128xf32, #tpu.memory_space<vmem>>, vector<1x128xf32>
    %add3A_30 = vector.broadcast %get3A_29 : vector<1x128xf32> to vector<1000x128xf32>
    %add3A_31 = arith.addf %dot_general3A_26, %add3A_30 : vector<1000x128xf32>
    %get3A_32 = arith.constant 0 : index
    %get3A_33 = arith.constant 0 : index
    %get3A_34 = vector.load %arg3[%get3A_32, %get3A_33] : memref<1000x128xf32, #tpu.memory_space<vmem>>, vector<1000x128xf32>
    %get3A_35 = arith.constant 0 : index
    %get3A_36 = arith.constant 0 : index
    %get3A_37 = vector.load %arg6[%get3A_35, %get3A_36] : memref<128x128xf32, #tpu.memory_space<vmem>>, vector<128x128xf32>
    %dot_general3A_38 = arith.constant dense<0.000000e+00> : vector<1000x128xf32>
    %dot_general3A_39 = tpu.matmul %get3A_34, %get3A_37, %dot_general3A_38 {dimension_numbers = #tpu.dot_dimension_numbers<[1], [0], [0], [1], [0, 0, 1, 1], [], []>, transpose_lhs_hint = false} : vector<1000x128xf32>, vector<128x128xf32>, vector<1000x128xf32> -> vector<1000x128xf32>
    %add3A_40 = arith.addf %add3A_31, %dot_general3A_39 : vector<1000x128xf32>
    %max3A_41 = arith.constant 0.000000e+00 : f32
    %max3A_42 = vector.broadcast %max3A_41 : f32 to vector<1000x128xf32>
    %max3A_43 = arith.maximumf %add3A_40, %max3A_42 : vector<1000x128xf32>
    %swap3A = arith.constant 0 : index
    %swap3A_44 = arith.constant 0 : index
    %swap3A_45 = vector.load %arg7[%swap3A, %swap3A_44] : memref<1000x128xf32, #tpu.memory_space<vmem>>, vector<1000x128xf32>
    tpu.vector_store %arg7[%swap3A, %swap3A_44], %max3A_43 {strides = array<i32>} : memref<1000x128xf32, #tpu.memory_space<vmem>>, vector<1000x128xf32>,
    return
  }
  func.func @transform_0(%arg0: i32) -> (i32, i32, i32) {
    %c0_i32 = arith.constant 0 : i32
    %c0_i32_0 = arith.constant 0 : i32
    %c0_i32_1 = arith.constant 0 : i32
    return %c0_i32, %arg0, %c0_i32_0 : i32, i32, i32
  }
  func.func @transform_1(%arg0: i32) -> (i32, i32, i32) {
    %c0_i32 = arith.constant 0 : i32
    %c0_i32_0 = arith.constant 0 : i32
    %c0_i32_1 = arith.constant 0 : i32
    return %c0_i32, %arg0, %c0_i32_0 : i32, i32, i32
  }
  func.func @transform_2(%arg0: i32) -> (i32, i32) {
    %c0_i32 = arith.constant 0 : i32
    %c0_i32_0 = arith.constant 0 : i32
    return %arg0, %c0_i32 : i32, i32
  }
  func.func @transform_3(%arg0: i32) -> (i32, i32) {
    %c0_i32 = arith.constant 0 : i32
    %c0_i32_0 = arith.constant 0 : i32
    %c0_i32_1 = arith.constant 0 : i32
    return %c0_i32, %c0_i32_0 : i32, i32
  }
  func.func @transform_4(%arg0: i32) -> (i32, i32) {
    %c0_i32 = arith.constant 0 : i32
    %c0_i32_0 = arith.constant 0 : i32
    %c0_i32_1 = arith.constant 0 : i32
    return %c0_i32, %c0_i32_0 : i32, i32
  }
  func.func @transform_5(%arg0: i32) -> (i32, i32) {
    %c0_i32 = arith.constant 0 : i32
    %c0_i32_0 = arith.constant 0 : i32
    %c0_i32_1 = arith.constant 0 : i32
    return %c0_i32, %c0_i32_0 : i32, i32
  }
  func.func @transform_6(%arg0: i32) -> (i32, i32) {
    %c0_i32 = arith.constant 0 : i32
    %c0_i32_0 = arith.constant 0 : i32
    return %arg0, %c0_i32 : i32, i32
  }
}

</mosaic_0001>

<sc_bundles>
// kernel: kernel.10.cloned.1.call-start
scs
__scs_entry_jumppad:
0x0: {  	(pc) =	sbr.rel $0x88, $3  }
0x1: {  	(tag) =	ssettag $0x0;
	lr =	simm.s32 $0x1  }
0x2: {  	[smem:$0x3F97] =	sst lr;
	_ =	strace $0xD0000000  }
0x3: {  	_ = 	snop  }
0x4: {  	_ = 	snop  }
0x5: {  	_ = 	snop  }
0x6: {  	_ = 	snop  }
0x7: {  	_ = 	snop  }
__scs_overlays_trampoline_lowered:
0x8: {  	[smem:$0x3FA6] =	sst s0  }
0x9: {  	[smem:$0x3FA7] =	sst s1  }
0xa: {  	[smem:$0x3FA8] =	sst s2  }
0xb: {  	[smem:$0x3FA9] =	sst s3  }
0xc: {  	[smem:$0x3FAA] =	sst s4  }
0xd: {  	[smem:$0x3FAB] =	sst s5  }
0xe: {  	[smem:$0x3FAC] =	sst s6  }
0xf: {  	[smem:$0x3FAD] =	sst s7  }
0x10: {  	[smem:$0x3FAE] =	sst s8  }
0x11: {  	[smem:$0x3FAF] =	sst s9;
	s0 =	simm.s32 @!p0 $0x0  }
0x12: {  	s1 =	sld [smem:$0x3F95];
	s0 =	simm.s32 @p0 $0x1  }
0x13: {  	[smem:$0x3FB0] =	sst s0;
	s0 =	simm.s32 @!p1 $0x0  }
0x14: {  	s2 =	sld [smem:$0x3F94];
	s0 =	simm.s32 @p1 $0x1  }
0x15: {  	[smem:$0x3FB1] =	sst s0;
	s0 =	simm.s32 @!p2 $0x0  }
0x16: {  	s3 =	sld [smem:$0x3FDB];
	s0 =	simm.s32 @p2 $0x1  }
0x17: {  	s4 =	simm.s32 $0x1BF5;
	[smem:$0x3FB3] =	sst s0  }
0x18: {  	s0 =	sld [smem:$0x3F96];
	_ =	swait.ge [sflag:s4], $0x0  }
0x19: {  	s7 =	sld [smem:$0x3F97]  }
0x1a: {  	s8 =	sadd.s32 $0xFFFFE003, lr  }
0x1b: {  	s9 =	sadd.s32 $0xFFFFFEF7, lr;
	s5 =	simm.s32 $0xFFFFFFFF;
	p2 =	slt.u32 s8, $0xFFFFF086  }
0x1c: {  	p1 =	slt.u32 s9, $0xF7A;
	s5 =	simm.s32 @!p2 $0x0  }
0x1d: {  	s5 =	simm.s32 @p1 $0x1;
	p0 =	seq.s32 s7, s2  }
0x1e: {  	s7 =	smul.u32 @!p0 $0xF7A, s2;
	p2 =	seq.s32 @!p0 s5, $0x0  }
0x1f: {  	s9 =	smul.u32 $0xF7A, s1;
	s8 =	simm.s32 @!p0 $0x1BF5;
	p2 =	por !p2, p0  }
0x20: {  	[sflag:s8] =	ssyncset.s32 @!p0 $0xFFFFF086;
	s6 =	sadd.s32 @!p0 s3, s7;
	s7 =	simm.s32 @!p0 $0x108  }
0x21: {  	s3 =	sadd.s32 s3, s9;
	s6 =	sadd.s32 @!p0 $0x88, s6;
	s7 =	simm.s32 @p2 $0x1082  }
0x22: {  	[simem:s7], [sflag:s8] =	dma.local @!p0 [hbm:s6], $0xF7A  }
0x23: {  	s9 =	sor.u32 $0xD0000000, s2;
	s6 =	simm.s32 $0x108;
	_ =	swait.ge @!p0 [sflag:s8], $0x0  }
0x24: {  	s3 =	sadd.s32 $0x88, s3;
	s6 =	simm.s32 @!p1 $0x1082;
	[sflag:s4] =	ssyncset.s32 $0xFFFFF086  }
0x25: {  	[simem:s6], [sflag:s4] =	dma.local [hbm:s3], $0xF7A  }
0x26: {  	[smem:$0x3F97] =	sst s1;
	(tag) =	ssettag s2;
	_ =	strace s9  }
0x27: {  	s1 =	sld [smem:$0x3FA7]  }
0x28: {  	s2 =	sld [smem:$0x3FA8]  }
0x29: {  	s4 =	sld [smem:$0x3FAA]  }
0x2a: {  	p0 =	seq.s32 s5, $0x0;
	s5 =	sld [smem:$0x3FAB]  }
0x2b: {  	s6 =	sld [smem:$0x3FAC]  }
0x2c: {  	s7 =	sld [smem:$0x3FAD]  }
0x2d: {  	s3 =	simm.s32 $0x108;
	s8 =	sld [smem:$0x3FAE]  }
0x2e: {  	s3 =	simm.s32 @!p0 $0x1082;
	s9 =	sld [smem:$0x3FAF]  }
0x2f: {  	lr =	sadd.s32 s0, s3;
	s0 =	sld [smem:$0x3FA6]  }
0x30: {  	s3 =	sld [smem:$0x3FA9]  }
0x31: {  	[smem:$0x3FB2] =	sst s10  }
0x32: {  	s10 =	sld [smem:$0x3FB0];
	_ =	sdelay $0x3  }
0x33: {  	p0 =	seq.s32 s10, $0x1;
	s10 =	sld [smem:$0x3FB2];
	_ =	sdelay $0x3  }
0x34: {  	[smem:$0x3FB2] =	sst s10  }
0x35: {  	s10 =	sld [smem:$0x3FB1];
	_ =	sdelay $0x3  }
0x36: {  	p1 =	seq.s32 s10, $0x1;
	s10 =	sld [smem:$0x3FB2];
	_ =	sdelay $0x3  }
0x37: {  	[smem:$0x3FB2] =	sst s10  }
0x38: {  	s10 =	sld [smem:$0x3FB3]  }
0x39: {  	_ = 	snop;
	(pc) =	sbr.ind lr, $3  }
0x3a: {  	_ = 	snop  }
0x3b: {  	_ = 	snop  }
0x3c: {  	p2 =	seq.s32 s10, $0x1;
	s10 =	sld [smem:$0x3FB2]  }
0x3d: {  	_ =	shalt  }
0x3e: {  	_ =	shalt  }
0x3f: {  	_ =	shalt  }
0x40: {  	_ =	shalt  }
0x41: {  	_ =	shalt  }
0x42: {  	_ =	shalt  }
0x43: {  	_ =	shalt  }
0x44: {  	_ =	shalt  }
0x45: {  	_ =	shalt  }
0x46: {  	_ =	shalt  }
0x47: {  	_ =	shalt  }
0x48: {  	_ =	shalt  }
0x49: {  	_ =	shalt  }
0x4a: {  	_ =	shalt  }
0x4b: {  	_ =	shalt  }
0x4c: {  	_ =	shalt  }
0x4d: {  	_ =	shalt  }
0x4e: {  	_ =	shalt  }
0x4f: {  	_ =	shalt  }
0x50: {  	_ =	shalt  }
0x51: {  	_ =	shalt  }
0x52: {  	_ =	shalt  }
0x53: {  	_ =	shalt  }
0x54: {  	_ =	shalt  }
0x55: {  	_ =	shalt  }
0x56: {  	_ =	shalt  }
0x57: {  	_ =	shalt  }
0x58: {  	_ =	shalt  }
0x59: {  	_ =	shalt  }
0x5a: {  	_ =	shalt  }
0x5b: {  	_ =	shalt  }
0x5c: {  	_ =	shalt  }
0x5d: {  	_ =	shalt  }
0x5e: {  	_ =	shalt  }
0x5f: {  	_ =	shalt  }
0x60: {  	_ =	shalt  }
0x61: {  	_ =	shalt  }
0x62: {  	_ =	shalt  }
0x63: {  	_ =	shalt  }
0x64: {  	_ =	shalt  }
0x65: {  	_ =	shalt  }
0x66: {  	_ =	shalt  }
0x67: {  	_ =	shalt  }
0x68: {  	_ =	shalt  }
0x69: {  	_ =	shalt  }
0x6a: {  	_ =	shalt  }
0x6b: {  	_ =	shalt  }
0x6c: {  	_ =	shalt  }
0x6d: {  	_ =	shalt  }
0x6e: {  	_ =	shalt  }
0x6f: {  	_ =	shalt  }
0x70: {  	_ =	shalt  }
0x71: {  	_ =	shalt  }
0x72: {  	_ =	shalt  }
0x73: {  	_ =	shalt  }
0x74: {  	_ =	shalt  }
0x75: {  	_ =	shalt  }
0x76: {  	_ =	shalt  }
0x77: {  	_ =	shalt  }
0x78: {  	_ =	shalt  }
0x79: {  	_ =	shalt  }
0x7a: {  	_ =	shalt  }
0x7b: {  	_ =	shalt  }
0x7c: {  	_ =	shalt  }
0x7d: {  	_ =	shalt  }
0x7e: {  	_ =	shalt  }
0x7f: {  	_ =	shalt  }
0x80: {  	_ =	shalt  }
0x81: {  	_ =	shalt  }
0x82: {  	_ =	shalt  }
0x83: {  	_ =	shalt  }
0x84: {  	_ =	shalt  }
0x85: {  	_ =	shalt  }
0x86: {  	_ =	shalt  }
0x87: {  	_ =	shalt  }
.Lfunc_end0:
.L_simem_size_0:
called_computation.1_lowered:
.L_overlay_start_0:
0x88: {  	s2 =	sld [smem:$0x3FD9]  }
0x89: {  	s3 =	sld [smem:$0x3FFE];
	_ =	sdelay $0x1  }
0x8a: {  	s1 =	srdreg.scid  }
0x8b: {  	s0 =	sand.u32 $0x1, s1  }
0x8c: {  	s17 =	sshll.u32 s0, $0xA;
	s2 =	sadd.s32 s3, s2  }
0x8d: {  	s2 =	sadd.s32 s2, s17  }
0x8e: {  	[smem:$0x3FBE] =	sst s2  }
0x8f: {  	_ = 	snop  }
0x90: {  	s2 =	sld [smem:$0x3FC9];
	(tm) =	ssettm $0x1  }
0x91: {  	s18 =	sld [smem:$0x3FFB];
	_ =	sdelay $0x3  }
0x92: {  	_ =	strace s18  }
0x93: {  	s3 =	sld [smem:$0x3FFC];
	_ =	sdelay $0x3  }
0x94: {  	_ =	strace s3  }
0x95: {  	s3 =	sld [smem:$0x3FFD];
	_ =	sdelay $0x3  }
0x96: {  	_ =	strace s3  }
0x97: {  	_ =	strace $0x8FFFFFFF  }
0x98: {  	s19 =	sld [smem:$0x3FDB];
	_ =	sdelay $0x1  }
0x99: {  	s4 =	simm.s32 $_scs_section_size  }
0x9a: {  	s5 =	simm.s32 $_size__tile_overlayer_lowered;
	s6 =	simm.s32 $_tile_overlayer_lowered  }
0x9b: {  	s22 =	simm.s32 $0x1BFF;
	s21 =	sshll.u32 s6, $0x1;
	s3 =	sadd.s32 s4, s19  }
0x9c: {  	s7 =	simm.s32 $0x0;
	s20 =	sshll.u32 s5, $0x1;
	s5 =	sadd.s32 s21, s3  }
0x9d: {  	[timem:s7], [sflag:s22] =	dma.local [hbm:s5], s20  }
0x9e: {  	_ =	swait.ge [sflag:s22], s20  }
0x9f: {  	s4 =	ssub.s32 $0x0, s20;
	[sflag:s22] =	ssyncset.done $0x0  }
0xa0: {  	[sflag:s22] =	ssyncadd.s32 s4;
	_ =	sdelay $0x1  }
0xa1: {  	s23 =	simm.s32 $0x1B8B  }
0xa2: {  	_ =	swait.ge [sflag:s23], $0x1  }
0xa3: {  	[sflag:s23] =	ssyncset.done $0x0  }
0xa4: {  	s25 =	simm.s32 $0x1B8E;
	s24 =	sld [smem:$0x3FFE];
	[sflag:s23] =	ssyncadd.s32 $0xFFFFFFFF  }
0xa5: {  	s26 =	simm.s32 $execute0_lowered;
	[smem:$0x3FD2] =	sst s25  }
0xa6: {  	s5 =	sshll.u32 s26, $0x1;
	_ =	strace $0x80000046;
	[dreg:$0x1] =	wrdreg $0xFFFFFFFF  }
0xa7: {  	s28 =	simm.s32 $_size_execute0_lowered;
	s3 =	sadd.s32 s3, s5;
	[dreg:$0x0] =	wrdreg $0x0  }
0xa8: {  	s5 =	sshll.u32 s28, $0x1;
	[dreg:$0x2] =	wrdreg s3  }
0xa9: {  	[dreg:$0x3] =	wrdreg s5  }
0xaa: {  	[dreg:$0x4] =	wrdreg $0xC0  }
0xab: {  	_ =	task [dreg:s7], $0x5FFFF  }
0xac: {  	[dreg:$0x1] =	wrdreg $0xFFFFFFFF  }
0xad: {  	[dreg:$0x0] =	wrdreg $0x60  }
0xae: {  	[dreg:$0x2] =	wrdreg s2  }
0xaf: {  	[dreg:$0x3] =	wrdreg s24  }
0xb0: {  	[dreg:$0x4] =	wrdreg $0xC4000  }
0xb1: {  	[dreg:$0x5] =	wrdreg $0xA  }
0xb2: {  	_ =	task.clear_ibuf [dreg:s7], $0x6FFFF;
	_ =	strace $0x90000046  }
0xb3: {  	s29 =	simm.s32 $0xA;
	_ =	strace $0x80000048  }
0xb4: {  	_ =	swait.ge [sflag:s29], $0x1  }
0xb5: {  	[sflag:s29] =	ssyncadd.s32 $0xFFFFFFFF  }
0xb6: {  	_ =	strace $0x90000048  }
0xb7: {  	_ =	sfence  }
0xb8: {  	s30 =	sld [smem:$0x0];
	_ =	sdelay $0x2  }
0xb9: {  	s31 =	sshll.u32 s1, $0xD;
	s1 =	sshrl.u32 s1, $0x2  }
0xba: {  	s3 =	sand.u32 $0x4000, s31;
	s1 =	sadd.s32 s1, s30  }
0xbb: {  	s0 =	sor.u32 s3, s0;
	s1 =	sshll.u32 s1, $0x11  }
0xbc: {  	s0 =	sor.u32 s1, s0  }
0xbd: {  	s0 =	sadd.s32 $0x8F2B, s0  }
0xbe: {  	[sflag:s0] =	ssyncadd.remote.s32 $0x1  }
0xbf: {  	_ =	sfence.sel $0xFFFF  }
0xc0: {  	[dreg:$0x0] =	wrdreg $0xFFFFFFFF;
	(pc) =	sbr.abs _section_cstart, $3  }
0xc1: {  	[dreg:$0x1] =	wrdreg $0xFFFFFFFF  }
0xc2: {  	_ =	task.clear_ibuf [dreg:s7], $0x2FFFF;
	_ =	strace $0x9FFFFFFF  }
0xc3: {  	(tm) =	ssettm $0x7FFFFFFF  }
tec
execute0_lowered:
.L_overlay_start_1:
0x0: {  	(tag) =	ssettag $0x1  }
0x1: {  	s2 =	rddreg [dreg:$0x0]  }
0x2: {  	s0 =	rddreg [dreg:$0x1]  }
0x3: {  	s3 =	rddreg [dreg:$0x2]  }
0x4: {  	s13 =	stileid.u32;
	s5 =	srdreg.scid;
	s4 =	simm.s32 $0x0  }
0x5: {  	s29 =	simm.s32 $0x2;
	s30 =	simm.s32 $0x3;
	s31 =	simm.s32 $0x0  }
0x6: {  	s1 =	smul.u32 $0x278, s13;
	s7 =	sand.u32 $0x1, s5;
	[smem:$0x7FF] =	sst s4  }
0x7: {  	s5 =	sadd.s32 $0xFC00, s0;
	s6 =	sadd.s32 $0x1C00, s0;
	s11 =	sshll.u32 s13, $0x1  }
0x8: {  	s20 =	sshll.u32 s13, $0x6;
	s8 =	smul.u32 $0x138C00, s7;
	_ =	strace $0x80000047  }
0x9: {  	s10 =	ssub.s32 $0x2, s7;
	s11 =	sor.u32 s7, s11;
	s1 =	smin.u32 s1, $0x24A0  }
0xa: {  	p0 =	seq.s32 s7, $0x0;
	s7 =	simm.s32 $0x6E;
	s9 =	sshll.u32 s1, $0x7  }
0xb: {  	s19 =	sshrl.u32 s10, $0x1;
	s1 =	sshll.u32 s1, $0x4;
	s8 =	sadd.s32 s8, s9  }
0xc: {  	s12 =	ssub.s32 s10, s19;
	s1 =	sadd.s32 s1, s0;
	s8 =	sshrl.u32 s8, $0x3  }
0xd: {  	s22 =	smax.u32 s12, $0x1;
	s0 =	sadd.s32 s8, s0;
	s8 =	smul.u32 $0x3800, s11  }
0xe: {  	s7 =	simm.s32 @!p0 $0x30;
	s1 =	sadd.s32 $0x1DC00, s1;
	[dreg:$0x6] =	wrdreg s22  }
0xf: {  	[dreg:$0x4] =	wrdreg s1;
	s0 =	sadd.s32 $0x44E00, s0;
	s21 =	sshrl.u32 s8, $0x3  }
0x10: {  	s10 =	sor.u32 $0x1C04, s20;
	[dreg:$0x5] =	wrdreg s0;
	s23 =	sadd.s32 s5, s21  }
0x11: {  	s24 =	sor.u32 $0x10, s21;
	s25 =	sadd.s32 s6, s21;
	[dreg:$0x7] =	wrdreg s23  }
0x12: {  	s20 =	simm.s32 $0x4;
	[dreg:$0x8] =	wrdreg s25;
	s26 =	sadd.s32 s5, s24  }
0x13: {  	s0 =	sor.u32 $0x20, s21;
	s1 =	sadd.s32 s6, s24;
	[dreg:$0x9] =	wrdreg s26  }
0x14: {  	s9 =	sadd.s32 s9, s3;
	s28 =	sadd.s32 s5, s0;
	[dreg:$0xa] =	wrdreg s1  }
0x15: {  	s19 =	sshrl.u32 s9, $0x3;
	s0 =	sadd.s32 s6, s0;
	[dreg:$0xb] =	wrdreg s28  }
0x16: {  	s22 =	simm.s32 $0x80;
	[dreg:$0xc] =	wrdreg s0;
	s26 =	simm.s32 $0x1  }
.LBB2_1:
0x17: {  	s0 =	rddreg [dreg:$0x4]  }
0x18: {  	[spmem:s19], [sflag:s10] =	dma.local [hbm:s0], $0x2780  }
0x19: {  	_ =	swait.ge [sflag:s20], $0x2780  }
0x1a: {  	[sflag:s20] =	ssyncset.done $0x0  }
0x1b: {  	[sflag:s20] =	ssyncadd.s32 $0xFFFFD880  }
0x1c: {  	[bflag:$0x0] =	sbarrier.arrive $0xFFFF  }
0x1d: {  	s24 =	rddreg [dreg:$0x7]  }
0x1e: {  	[tilespmem:s4], [sflag:$0x1] =	stream.linear.gather [hbm4b:s24+s4], $0x80, $0x38;
	[tilespmem:$0x1FCC0] =	vst v63  }
0x1f: {  	s1 =	simm.s32 $0x200;
	s25 =	rddreg [dreg:$0x8]  }
0x20: {  	[tilespmem:s1], [sflag:$0x1] =	stream.linear.gather [hbm4b:s25+s4], $0x80, $0x38;
	[tilespmem:$0x1FCC0] =	vst v63  }
0x21: {  	s1 =	rddreg [dreg:$0x9]  }
0x22: {  	[tilespmem:s22], [sflag:$0x1] =	stream.linear.gather [hbm4b:s1+s4], $0x80, $0x38;
	[tilespmem:$0x1FCC0] =	vst v63  }
0x23: {  	s11 =	simm.s32 $0x280;
	s9 =	rddreg [dreg:$0xa]  }
0x24: {  	[tilespmem:s11], [sflag:$0x1] =	stream.linear.gather [hbm4b:s9+s4], $0x80, $0x38;
	[tilespmem:$0x1FCC0] =	vst v63  }
0x25: {  	s13 =	simm.s32 $0x100;
	s12 =	rddreg [dreg:$0xb]  }
0x26: {  	[tilespmem:s13], [sflag:$0x1] =	stream.linear.gather [hbm4b:s12+s4], $0x80, $0x38;
	[tilespmem:$0x1FCC0] =	vst v63  }
0x27: {  	s15 =	simm.s32 $0x300;
	s14 =	rddreg [dreg:$0xc]  }
0x28: {  	[tilespmem:s15], [sflag:$0x1] =	stream.linear.gather [hbm4b:s14+s4], $0x80, $0x38;
	[tilespmem:$0x1FCC0] =	vst v63  }
0x29: {  	_ =	swait.ge [sflag:s26], $0x80  }
0x2a: {  	[sflag:s26] =	ssyncset.done $0x0  }
0x2b: {  	[sflag:s26] =	ssyncadd.s32 $0xFFFFFF80  }
0x2c: {  	s16 =	simm.s32 $0x4400;
	_ =	swait.ge [sflag:s26], $0x80  }
0x2d: {  	p0 =	sle.u32 s7, $0x3;
	p1 =	por $0x1, $0x1;
	[sflag:s26] =	ssyncset.done $0x0  }
0x2e: {  	s17 =	smulhi.u32 $0xAAAAAAAB, s29;
	s1 =	simm.s32 $0x400;
	[sflag:s26] =	ssyncadd.s32 $0xFFFFFF80  }
0x2f: {  	[tilespmem:s1], [sflag:$0x2] =	stream.indirect.gather [hbm4b:s2+s22], $0x80, s4, s22, $0xb8;
	[tilespmem:$0x1FCC0] =	vst v63  }
0x30: {  	s23 =	simm.s32 $0x4400;
	s28 =	smulhi.u32 $0xAAAAAAAB, s4;
	_ =	swait.ge [sflag:s26], $0x80  }
0x31: {  	s18 =	sand.u32 $0x600, s4;
	s0 =	simm.s32 $0x180;
	[sflag:s26] =	ssyncset.done $0x0  }
0x32: {  	s21 =	simm.s32 @!p1 $0x3;
	s28 =	sshrl.u32 s28, $0x1;
	[sflag:s26] =	ssyncadd.s32 $0xFFFFFF80  }
0x33: {  	s9 =	sand.u32 @!p0 $0x7FFFFC00, s0;
	s11 =	simm.s32 @!p0 $0x600;
	_ =	swait.ge [sflag:s26], $0x80  }
0x34: {  	s0 =	sand.u32 @!p0 $0x380, s0;
	s9 =	sadd.s32 @!p0 s8, s9;
	[sflag:s26] =	ssyncset.done $0x0  }
0x35: {  	s11 =	sand.u32 @!p0 $0x600, s11;
	s0 =	sor.u32 @!p0 s0, s9;
	[sflag:s26] =	ssyncadd.s32 $0xFFFFFF80  }
0x36: {  	[tilespmem:s16], [sflag:$0x2] =	stream.indirect.gather [hbm4b:s2+s22], $0x80, s22, s22, $0xb8;
	[tilespmem:$0x1FCC0] =	vst v63  }
0x37: {  	s9 =	sshrl.u32 @!p0 s11, $0x2;
	s0 =	sshrl.u32 @!p0 s0, $0x3;
	_ =	swait.ge @!p1 [sflag:s21], $0x4000  }
0x38: {  	s12 =	smul.u32 $0xFFFD0000, s28;
	s11 =	sadd.s32 @!p0 s5, s0;
	[sflag:s21] =	ssyncset.done @!p1 $0x0  }
0x39: {  	[sflag:s21] =	ssyncadd.s32 @!p1 $0xFFFFC000;
	s21 =	simm.s32 @!p0 $0x0;
	p1 =	sle.u32 s7, $0x2  }
0x3a: {  	[tilespmem:s9], [sflag:$0x1] =	stream.linear.gather @!p0 [hbm4b:s11+s21], $0x80, $0x38;
	[tilespmem:$0x1FCC0] =	vst v63  }
0x3b: {  	s0 =	sadd.s32 @!p0 s6, s0;
	s9 =	sor.u32 @!p0 $0x200, s9;
	s11 =	simm.s32 @!p1 $0x1  }
0x3c: {  	[tilespmem:s9], [sflag:$0x1] =	stream.linear.gather @!p0 [hbm4b:s0+s21], $0x80, $0x38;
	[tilespmem:$0x1FCC0] =	vst v63  }
0x3d: {  	s28 =	simm.s32 $0xC400;
	s24 =	simm.s32 @!p1 $0x400;
	_ =	swait.ge @!p1 [sflag:s11], $0x80  }
0x3e: {  	s25 =	sand.u32 @!p1 $0x600, s24;
	s9 =	sshrl.u32 s17, $0x1;
	[sflag:s11] =	ssyncset.done @!p1 $0x0  }
0x3f: {  	s24 =	simm.s32 $0x200;
	s9 =	smul.u32 $0xFFFD0000, s9;
	[sflag:s11] =	ssyncadd.s32 @!p1 $0xFFFFFF80  }
0x40: {  	p0 =	sne.s32 s7, $0x1;
	s25 =	sshrl.u32 @!p1 s25, $0x2;
	_ =	swait.ge @!p1 [sflag:s11], $0x80  }
.Ltmp0:
0x41: {  	s9 =	sshra.s32 s9, $0x2;
	[sflag:s11] =	ssyncset.done @!p1 $0x0;
	(pc) =	sbr.rel @!p0 .LBB2_3-.Ltmp0, $4  }
0x42: {  	s9 =	sadd.s32 $0x8400, s9;
	[sflag:s11] =	ssyncadd.s32 @!p1 $0xFFFFFF80;
	s11 =	simm.s32 @!p1 $0x80  }
0x43: {  	[tilespmem:s9], [sflag:$0x2] =	stream.indirect.gather @!p1 [hbm4b:s2+s11], $0x80, s25, s11, $0xb8;
	[tilespmem:$0x1FCC0] =	vst v63  }
0x44: {  	s0 =	simm.s32 $0x1;
	s21 =	simm.s32 $0x200;
	s25 =	simm.s32 $0x3  }
0x45: {  	s9 =	sshra.s32 s12, $0x2;
	s11 =	sshrl.u32 s18, $0x2;
	_ =	swait.ge [sflag:s29], $0x4000  }
.LBB2_2:
0x46: {  	s1 =	sadd.s32 s9, s1;
	[sflag:s29] =	ssyncset.done $0x0;
	s9 =	sor.u32 $0x200, s11  }
0x47: {  	s11 =	smov.u32 s0;
	s0 =	sadd.s32 $0x1, s0;
	[sflag:s29] =	ssyncadd.s32 $0xFFFFC000  }
0x48: {  	[spmem:s3] =	stream.indirect.scatter.add.f32 [tilespmem:s1], [sflag:$0x3], $0x80, s9, s22, $0xb8;
	[tilespmem:$0x1FCC0] =	vst v63  }
0x49: {  	s12 =	smov.u32 s21;
	p0 =	sne.s32 s0, s7;
	s1 =	smov.u32 s23  }
0x4a: {  	s13 =	smov.u32 s24;
	s9 =	smov.u32 s28  }
0x4b: {  	s21 =	sadd.s32 $0x80, s21;
	s14 =	sadd.s32 $0x3, s11  }
0x4c: {  	p2 =	seq.s32 s24, $0x0;
	p1 =	sge.u32 s14, s7;
	s23 =	sadd.s32 $0x4000, s23  }
0x4d: {  	s16 =	simm.s32 @!p2 $0x3;
	s14 =	sand.u32 @!p1 $0x7FFFFC00, s12;
	s15 =	sadd.s32 @!p1 $0x600, s24  }
0x4e: {  	s12 =	sand.u32 @!p1 $0x380, s12;
	s14 =	sadd.s32 @!p1 s8, s14;
	s15 =	sand.u32 @!p1 $0x600, s15  }
0x4f: {  	s18 =	sadd.s32 $0x2, s11;
	s12 =	sor.u32 @!p1 s12, s14;
	s14 =	sshrl.u32 @!p1 s15, $0x2  }
0x50: {  	s12 =	sshrl.u32 @!p1 s12, $0x3;
	s15 =	sor.u32 @!p1 $0x200, s14;
	_ =	swait.ge @!p2 [sflag:s16], $0x4000  }
0x51: {  	s17 =	sadd.s32 @!p1 s5, s12;
	s12 =	sadd.s32 @!p1 s6, s12;
	[sflag:s16] =	ssyncset.done @!p2 $0x0  }
0x52: {  	s11 =	smulhi.u32 $0xAAAAAAAB, s11;
	[sflag:s16] =	ssyncadd.s32 @!p2 $0xFFFFC000;
	s16 =	simm.s32 @!p1 $0x0  }
0x53: {  	[tilespmem:s14], [sflag:$0x1] =	stream.linear.gather @!p1 [hbm4b:s17+s16], $0x80, $0x38;
	[tilespmem:$0x1FCC0] =	vst v63  }
0x54: {  	s24 =	sadd.s32 $0x200, s24;
	p2 =	sge.u32 s18, s7;
	s14 =	smulhi.u32 $0xAAAAAAAB, s25  }
0x55: {  	[tilespmem:s15], [sflag:$0x1] =	stream.linear.gather @!p1 [hbm4b:s12+s16], $0x80, $0x38;
	[tilespmem:$0x1FCC0] =	vst v63  }
0x56: {  	s12 =	sshrl.u32 s14, $0x1;
	s14 =	simm.s32 @!p2 $0x1;
	s15 =	sadd.s32 @!p2 $0x400, s13  }
0x57: {  	s12 =	smul.u32 $0xFFFD0000, s12;
	s15 =	sand.u32 @!p2 $0x600, s15;
	_ =	swait.ge @!p2 [sflag:s14], $0x80  }
0x58: {  	s25 =	sadd.s32 $0x1, s25;
	s15 =	sshrl.u32 @!p2 s15, $0x2;
	[sflag:s14] =	ssyncset.done @!p2 $0x0  }
0x59: {  	s28 =	sadd.s32 $0x4000, s28;
	s12 =	sshra.s32 s12, $0x2;
	[sflag:s14] =	ssyncadd.s32 @!p2 $0xFFFFFF80  }
.Ltmp1:
0x5a: {  	s13 =	sand.u32 $0x600, s13;
	_ =	swait.ge @!p2 [sflag:s14], $0x80;
	(pc) =	sbr.rel @p0 .LBB2_2-.Ltmp1, $4  }
0x5b: {  	s11 =	sshrl.u32 s11, $0x1;
	s16 =	simm.s32 @!p2 $0x80;
	[sflag:s14] =	ssyncset.done @!p2 $0x0  }
0x5c: {  	s11 =	smul.u32 $0xFFFD0000, s11;
	s9 =	sadd.s32 s12, s9;
	[sflag:s14] =	ssyncadd.s32 @!p2 $0xFFFFFF80  }
0x5d: {  	[tilespmem:s9], [sflag:$0x2] =	stream.indirect.gather @!p2 [hbm4b:s2+s16], $0x80, s15, s16, $0xb8;
	[tilespmem:$0x1FCC0] =	vst v63  }
0x5e: {  	s9 =	sshra.s32 s11, $0x2;
	s11 =	sshrl.u32 s13, $0x2;
	_ =	swait.ge [sflag:s29], $0x4000  }
.LBB2_3:
0x5f: {  	[sflag:s29] =	ssyncset.done $0x0  }
0x60: {  	s0 =	sadd.s32 s9, s1;
	s24 =	sor.u32 $0x200, s11;
	[sflag:s29] =	ssyncadd.s32 $0xFFFFC000  }
0x61: {  	[spmem:s3] =	stream.indirect.scatter.add.f32 [tilespmem:s0], [sflag:$0x3], $0x80, s24, s22, $0xb8;
	[tilespmem:$0x1FCC0] =	vst v63  }
0x62: {  	_ =	swait.ge [sflag:s30], $0x4000  }
0x63: {  	[sflag:s30] =	ssyncset.done $0x0  }
0x64: {  	[sflag:s30] =	ssyncadd.s32 $0xFFFFC000  }
0x65: {  	[bflag:$0x0] =	sbarrier.arrive $0xFFFF  }
0x66: {  	s25 =	rddreg [dreg:$0x5]  }
0x67: {  	[hbm:s25], [sflag:s10] =	dma.local [spmem:s19], $0x2780  }
0x68: {  	_ =	swait.ge [sflag:s20], $0x2780  }
0x69: {  	s31 =	sadd.s32 $0x1, s31;
	s28 =	rddreg [dreg:$0x6]  }
0x6a: {  	p0 =	sne.s32 s31, s28  }
.Ltmp2:
0x6b: {  	_ = 	snop;
	(pc) =	sbr.rel @p0 .LBB2_1-.Ltmp2, $3  }
0x6c: {  	_ =	sdelay $0x1  }
0x6d: {  	[sflag:s20] =	ssyncset.done $0x0  }
0x6e: {  	[sflag:s20] =	ssyncadd.s32 $0xFFFFD880  }
0x6f: {  	_ =	sfence.sel $0x180000  }
0x70: {  	[bflag:$0x0] =	sbarrier.arrive $0xFFFF  }
0x71: {  	_ =	strace $0x90000047  }
0x72: {  	s0 =	stileid.u32;
	[bflag:$0x2] =	sbarrier.arrive $0xFFFF  }
0x73: {  	p0 =	sne.s32 s0, $0x0;
	s0 =	rddreg [dreg:$0x3]  }
0x74: {  	s0 =	sadd.s32 @!p0 $0x100000, s0  }
0x75: {  	[sflag:s0] =	ssyncadd.tile.s32 @!p0 $0x1;
	_ =	shalt  }
.Lfunc_end2:
_tile_overlayer_lowered:
.L_overlay_start_2:
0x76: {  	(tag) =	ssettag $0x2  }
0x77: {  	s0 =	rddreg [dreg:$0x0];
	s2 =	stileid.u32  }
0x78: {  	s1 =	rddreg [dreg:$0x1];
	p0 =	sne.s32 s2, $0x0  }
0x79: {  	s3 =	rddreg [dreg:$0x2];
	[bflag:$0x3] =	sbarrier.arrive $0xFFFF;
	s2 =	simm.s32 @!p0 $0x1C04  }
0x7a: {  	[timem:s3], [sflag:s2] =	dma.local @!p0 [hbm:s0], s1  }
0x7b: {  	s0 =	simm.s32 @!p0 $0x4  }
0x7c: {  	_ =	swait.ge @!p0 [sflag:s0], s1  }
0x7d: {  	s1 =	ssub.s32 @!p0 $0x0, s1;
	[sflag:s0] =	ssyncset.done @!p0 $0x0  }
0x7e: {  	[sflag:s0] =	ssyncadd.s32 @!p0 s1  }
0x7f: {  	[bflag:$0x3] =	sbarrier.arrive $0xFFFF  }
0x80: {  	_ =	shalt  }

// kernel: kernel.13.cloned.1.call-start
scs
__scs_entry_jumppad:
0x0: {  	(pc) =	sbr.rel $0x88, $3  }
0x1: {  	(tag) =	ssettag $0x0;
	lr =	simm.s32 $0x1  }
0x2: {  	[smem:$0x3F97] =	sst lr;
	_ =	strace $0xD0000000  }
0x3: {  	_ = 	snop  }
0x4: {  	_ = 	snop  }
0x5: {  	_ = 	snop  }
0x6: {  	_ = 	snop  }
0x7: {  	_ = 	snop  }
__scs_overlays_trampoline_lowered:
0x8: {  	[smem:$0x3FA6] =	sst s0  }
0x9: {  	[smem:$0x3FA7] =	sst s1  }
0xa: {  	[smem:$0x3FA8] =	sst s2  }
0xb: {  	[smem:$0x3FA9] =	sst s3  }
0xc: {  	[smem:$0x3FAA] =	sst s4  }
0xd: {  	[smem:$0x3FAB] =	sst s5  }
0xe: {  	[smem:$0x3FAC] =	sst s6  }
0xf: {  	[smem:$0x3FAD] =	sst s7  }
0x10: {  	[smem:$0x3FAE] =	sst s8  }
0x11: {  	[smem:$0x3FAF] =	sst s9;
	s0 =	simm.s32 @!p0 $0x0  }
0x12: {  	s1 =	sld [smem:$0x3F95];
	s0 =	simm.s32 @p0 $0x1  }
0x13: {  	[smem:$0x3FB0] =	sst s0;
	s0 =	simm.s32 @!p1 $0x0  }
0x14: {  	s2 =	sld [smem:$0x3F94];
	s0 =	simm.s32 @p1 $0x1  }
0x15: {  	[smem:$0x3FB1] =	sst s0;
	s0 =	simm.s32 @!p2 $0x0  }
0x16: {  	s3 =	sld [smem:$0x3FDB];
	s0 =	simm.s32 @p2 $0x1  }
0x17: {  	s4 =	simm.s32 $0x1BF5;
	[smem:$0x3FB3] =	sst s0  }
0x18: {  	s0 =	sld [smem:$0x3F96];
	_ =	swait.ge [sflag:s4], $0x0  }
0x19: {  	s7 =	sld [smem:$0x3F97]  }
0x1a: {  	s8 =	sadd.s32 $0xFFFFE003, lr  }
0x1b: {  	s9 =	sadd.s32 $0xFFFFFEF7, lr;
	s5 =	simm.s32 $0xFFFFFFFF;
	p2 =	slt.u32 s8, $0xFFFFF086  }
0x1c: {  	p1 =	slt.u32 s9, $0xF7A;
	s5 =	simm.s32 @!p2 $0x0  }
0x1d: {  	s5 =	simm.s32 @p1 $0x1;
	p0 =	seq.s32 s7, s2  }
0x1e: {  	s7 =	smul.u32 @!p0 $0xF7A, s2;
	p2 =	seq.s32 @!p0 s5, $0x0  }
0x1f: {  	s9 =	smul.u32 $0xF7A, s1;
	s8 =	simm.s32 @!p0 $0x1BF5;
	p2 =	por !p2, p0  }
0x20: {  	[sflag:s8] =	ssyncset.s32 @!p0 $0xFFFFF086;
	s6 =	sadd.s32 @!p0 s3, s7;
	s7 =	simm.s32 @!p0 $0x108  }
0x21: {  	s3 =	sadd.s32 s3, s9;
	s6 =	sadd.s32 @!p0 $0x88, s6;
	s7 =	simm.s32 @p2 $0x1082  }
0x22: {  	[simem:s7], [sflag:s8] =	dma.local @!p0 [hbm:s6], $0xF7A  }
0x23: {  	s9 =	sor.u32 $0xD0000000, s2;
	s6 =	simm.s32 $0x108;
	_ =	swait.ge @!p0 [sflag:s8], $0x0  }
0x24: {  	s3 =	sadd.s32 $0x88, s3;
	s6 =	simm.s32 @!p1 $0x1082;
	[sflag:s4] =	ssyncset.s32 $0xFFFFF086  }
0x25: {  	[simem:s6], [sflag:s4] =	dma.local [hbm:s3], $0xF7A  }
0x26: {  	[smem:$0x3F97] =	sst s1;
	(tag) =	ssettag s2;
	_ =	strace s9  }
0x27: {  	s1 =	sld [smem:$0x3FA7]  }
0x28: {  	s2 =	sld [smem:$0x3FA8]  }
0x29: {  	s4 =	sld [smem:$0x3FAA]  }
0x2a: {  	p0 =	seq.s32 s5, $0x0;
	s5 =	sld [smem:$0x3FAB]  }
0x2b: {  	s6 =	sld [smem:$0x3FAC]  }
0x2c: {  	s7 =	sld [smem:$0x3FAD]  }
0x2d: {  	s3 =	simm.s32 $0x108;
	s8 =	sld [smem:$0x3FAE]  }
0x2e: {  	s3 =	simm.s32 @!p0 $0x1082;
	s9 =	sld [smem:$0x3FAF]  }
0x2f: {  	lr =	sadd.s32 s0, s3;
	s0 =	sld [smem:$0x3FA6]  }
0x30: {  	s3 =	sld [smem:$0x3FA9]  }
0x31: {  	[smem:$0x3FB2] =	sst s10  }
0x32: {  	s10 =	sld [smem:$0x3FB0];
	_ =	sdelay $0x3  }
0x33: {  	p0 =	seq.s32 s10, $0x1;
	s10 =	sld [smem:$0x3FB2];
	_ =	sdelay $0x3  }
0x34: {  	[smem:$0x3FB2] =	sst s10  }
0x35: {  	s10 =	sld [smem:$0x3FB1];
	_ =	sdelay $0x3  }
0x36: {  	p1 =	seq.s32 s10, $0x1;
	s10 =	sld [smem:$0x3FB2];
	_ =	sdelay $0x3  }
0x37: {  	[smem:$0x3FB2] =	sst s10  }
0x38: {  	s10 =	sld [smem:$0x3FB3]  }
0x39: {  	_ = 	snop;
	(pc) =	sbr.ind lr, $3  }
0x3a: {  	_ = 	snop  }
0x3b: {  	_ = 	snop  }
0x3c: {  	p2 =	seq.s32 s10, $0x1;
	s10 =	sld [smem:$0x3FB2]  }
0x3d: {  	_ =	shalt  }
0x3e: {  	_ =	shalt  }
0x3f: {  	_ =	shalt  }
0x40: {  	_ =	shalt  }
0x41: {  	_ =	shalt  }
0x42: {  	_ =	shalt  }
0x43: {  	_ =	shalt  }
0x44: {  	_ =	shalt  }
0x45: {  	_ =	shalt  }
0x46: {  	_ =	shalt  }
0x47: {  	_ =	shalt  }
0x48: {  	_ =	shalt  }
0x49: {  	_ =	shalt  }
0x4a: {  	_ =	shalt  }
0x4b: {  	_ =	shalt  }
0x4c: {  	_ =	shalt  }
0x4d: {  	_ =	shalt  }
0x4e: {  	_ =	shalt  }
0x4f: {  	_ =	shalt  }
0x50: {  	_ =	shalt  }
0x51: {  	_ =	shalt  }
0x52: {  	_ =	shalt  }
0x53: {  	_ =	shalt  }
0x54: {  	_ =	shalt  }
0x55: {  	_ =	shalt  }
0x56: {  	_ =	shalt  }
0x57: {  	_ =	shalt  }
0x58: {  	_ =	shalt  }
0x59: {  	_ =	shalt  }
0x5a: {  	_ =	shalt  }
0x5b: {  	_ =	shalt  }
0x5c: {  	_ =	shalt  }
0x5d: {  	_ =	shalt  }
0x5e: {  	_ =	shalt  }
0x5f: {  	_ =	shalt  }
0x60: {  	_ =	shalt  }
0x61: {  	_ =	shalt  }
0x62: {  	_ =	shalt  }
0x63: {  	_ =	shalt  }
0x64: {  	_ =	shalt  }
0x65: {  	_ =	shalt  }
0x66: {  	_ =	shalt  }
0x67: {  	_ =	shalt  }
0x68: {  	_ =	shalt  }
0x69: {  	_ =	shalt  }
0x6a: {  	_ =	shalt  }
0x6b: {  	_ =	shalt  }
0x6c: {  	_ =	shalt  }
0x6d: {  	_ =	shalt  }
0x6e: {  	_ =	shalt  }
0x6f: {  	_ =	shalt  }
0x70: {  	_ =	shalt  }
0x71: {  	_ =	shalt  }
0x72: {  	_ =	shalt  }
0x73: {  	_ =	shalt  }
0x74: {  	_ =	shalt  }
0x75: {  	_ =	shalt  }
0x76: {  	_ =	shalt  }
0x77: {  	_ =	shalt  }
0x78: {  	_ =	shalt  }
0x79: {  	_ =	shalt  }
0x7a: {  	_ =	shalt  }
0x7b: {  	_ =	shalt  }
0x7c: {  	_ =	shalt  }
0x7d: {  	_ =	shalt  }
0x7e: {  	_ =	shalt  }
0x7f: {  	_ =	shalt  }
0x80: {  	_ =	shalt  }
0x81: {  	_ =	shalt  }
0x82: {  	_ =	shalt  }
0x83: {  	_ =	shalt  }
0x84: {  	_ =	shalt  }
0x85: {  	_ =	shalt  }
0x86: {  	_ =	shalt  }
0x87: {  	_ =	shalt  }
.Lfunc_end0:
.L_simem_size_0:
called_computation.2_lowered:
.L_overlay_start_0:
0x88: {  	s2 =	sld [smem:$0x3FD9]  }
0x89: {  	s3 =	sld [smem:$0x3FFE];
	_ =	sdelay $0x1  }
0x8a: {  	s1 =	srdreg.scid  }
0x8b: {  	s0 =	sand.u32 $0x1, s1  }
0x8c: {  	s16 =	sshll.u32 s0, $0xA;
	s2 =	sadd.s32 s3, s2  }
0x8d: {  	s2 =	sadd.s32 s2, s16  }
0x8e: {  	[smem:$0x3FBE] =	sst s2  }
0x8f: {  	_ = 	snop  }
0x90: {  	(tm) =	ssettm $0x1  }
0x91: {  	s17 =	sld [smem:$0x3FFB];
	_ =	sdelay $0x3  }
0x92: {  	_ =	strace s17  }
0x93: {  	s2 =	sld [smem:$0x3FFC];
	_ =	sdelay $0x3  }
0x94: {  	_ =	strace s2  }
0x95: {  	s2 =	sld [smem:$0x3FFD];
	_ =	sdelay $0x3  }
0x96: {  	_ =	strace s2  }
0x97: {  	_ =	strace $0x8FFFFFFF  }
0x98: {  	s18 =	sld [smem:$0x3FDB];
	_ =	sdelay $0x1  }
0x99: {  	s19 =	simm.s32 $_scs_section_size  }
0x9a: {  	s4 =	simm.s32 $_size__tile_overlayer_lowered;
	s5 =	simm.s32 $_tile_overlayer_lowered  }
0x9b: {  	s22 =	simm.s32 $0x1BFF;
	s21 =	sshll.u32 s5, $0x1;
	s2 =	sadd.s32 s19, s18  }
0x9c: {  	s6 =	simm.s32 $0x0;
	s20 =	sshll.u32 s4, $0x1;
	s4 =	sadd.s32 s21, s2  }
0x9d: {  	[timem:s6], [sflag:s22] =	dma.local [hbm:s4], s20  }
0x9e: {  	_ =	swait.ge [sflag:s22], s20  }
0x9f: {  	s3 =	ssub.s32 $0x0, s20;
	[sflag:s22] =	ssyncset.done $0x0  }
0xa0: {  	[sflag:s22] =	ssyncadd.s32 s3;
	_ =	sdelay $0x1  }
0xa1: {  	s23 =	simm.s32 $0x1B8B  }
0xa2: {  	_ =	swait.ge [sflag:s23], $0x1  }
0xa3: {  	[sflag:s23] =	ssyncset.done $0x0  }
0xa4: {  	s25 =	simm.s32 $0x1B8E;
	s24 =	sld [smem:$0x3FFE];
	[sflag:s23] =	ssyncadd.s32 $0xFFFFFFFF  }
0xa5: {  	s26 =	simm.s32 $execute0_lowered;
	[smem:$0x3FD2] =	sst s25  }
0xa6: {  	s4 =	sshll.u32 s26, $0x1;
	_ =	strace $0x8000004C;
	[dreg:$0x1] =	wrdreg $0xFFFFFFFF  }
0xa7: {  	s28 =	simm.s32 $_size_execute0_lowered;
	s2 =	sadd.s32 s2, s4;
	[dreg:$0x0] =	wrdreg $0x0  }
0xa8: {  	s4 =	sshll.u32 s28, $0x1;
	[dreg:$0x2] =	wrdreg s2  }
0xa9: {  	[dreg:$0x3] =	wrdreg s4  }
0xaa: {  	[dreg:$0x4] =	wrdreg $0xC0  }
0xab: {  	_ =	task [dreg:s6], $0x5FFFF  }
0xac: {  	[dreg:$0x1] =	wrdreg $0xFFFFFFFF  }
0xad: {  	[dreg:$0x0] =	wrdreg $0x60  }
0xae: {  	[dreg:$0x2] =	wrdreg s24  }
0xaf: {  	[dreg:$0x3] =	wrdreg $0xC4000  }
0xb0: {  	[dreg:$0x4] =	wrdreg $0x9  }
0xb1: {  	_ =	task.clear_ibuf [dreg:s6], $0x5FFFF;
	_ =	strace $0x9000004C  }
0xb2: {  	s29 =	simm.s32 $0x9;
	_ =	strace $0x8000004E  }
0xb3: {  	_ =	swait.ge [sflag:s29], $0x1  }
0xb4: {  	[sflag:s29] =	ssyncadd.s32 $0xFFFFFFFF  }
0xb5: {  	_ =	strace $0x9000004E  }
0xb6: {  	_ =	sfence  }
0xb7: {  	s30 =	sld [smem:$0x0];
	_ =	sdelay $0x2  }
0xb8: {  	s31 =	sshll.u32 s1, $0xD;
	s1 =	sshrl.u32 s1, $0x2  }
0xb9: {  	s3 =	sand.u32 $0x4000, s31;
	s1 =	sadd.s32 s1, s30  }
0xba: {  	s0 =	sor.u32 s3, s0;
	s1 =	sshll.u32 s1, $0x11  }
0xbb: {  	s0 =	sor.u32 s1, s0  }
0xbc: {  	s0 =	sadd.s32 $0x8F2B, s0  }
0xbd: {  	[sflag:s0] =	ssyncadd.remote.s32 $0x1  }
0xbe: {  	_ =	sfence.sel $0xFFFF  }
0xbf: {  	[dreg:$0x0] =	wrdreg $0xFFFFFFFF;
	(pc) =	sbr.abs _section_cstart, $3  }
0xc0: {  	[dreg:$0x1] =	wrdreg $0xFFFFFFFF  }
0xc1: {  	_ =	task.clear_ibuf [dreg:s6], $0x2FFFF;
	_ =	strace $0x9FFFFFFF  }
0xc2: {  	(tm) =	ssettm $0x7FFFFFFF  }
0xc3: {  	_ =	shalt  }
tec
execute0_lowered:
.L_overlay_start_1:
0x0: {  	(tag) =	ssettag $0x1  }
0x1: {  	s0 =	rddreg [dreg:$0x0]  }
0x2: {  	s2 =	rddreg [dreg:$0x1];
	s3 =	simm.s32 $0x0  }
0x3: {  	s13 =	stileid.u32;
	s4 =	srdreg.scid;
	s29 =	simm.s32 $0x2  }
0x4: {  	s30 =	simm.s32 $0x3;
	s31 =	simm.s32 $0x0;
	[smem:$0x7FF] =	sst s3  }
0x5: {  	s1 =	smul.u32 $0x278, s13;
	s7 =	sand.u32 $0x1, s4;
	s4 =	sadd.s32 $0x44E00, s0  }
0x6: {  	s5 =	sadd.s32 $0xFC00, s0;
	s6 =	sadd.s32 $0x1C00, s0;
	s11 =	sshll.u32 s13, $0x1  }
0x7: {  	s20 =	sshll.u32 s13, $0x6;
	_ =	strace $0x8000004D;
	s8 =	smul.u32 $0x138C00, s7  }
0x8: {  	s10 =	ssub.s32 $0x2, s7;
	s11 =	sor.u32 s7, s11;
	s1 =	smin.u32 s1, $0x24A0  }
0x9: {  	p0 =	seq.s32 s7, $0x0;
	s7 =	simm.s32 $0x6E;
	s9 =	sshll.u32 s1, $0x7  }
0xa: {  	s19 =	sshrl.u32 s10, $0x1;
	s1 =	sshll.u32 s1, $0x4;
	s8 =	sadd.s32 s8, s9  }
0xb: {  	s12 =	ssub.s32 s10, s19;
	s1 =	sadd.s32 s1, s0;
	s8 =	sshrl.u32 s8, $0x3  }
0xc: {  	s22 =	smax.u32 s12, $0x1;
	s0 =	sadd.s32 s8, s0;
	s8 =	smul.u32 $0x3800, s11  }
0xd: {  	s7 =	simm.s32 @!p0 $0x30;
	s1 =	sadd.s32 $0x1DC00, s1;
	[dreg:$0x5] =	wrdreg s22  }
0xe: {  	[dreg:$0x3] =	wrdreg s1;
	s0 =	sadd.s32 $0xEBE00, s0;
	s21 =	sshrl.u32 s8, $0x3  }
0xf: {  	s10 =	sor.u32 $0x1C04, s20;
	[dreg:$0x4] =	wrdreg s0;
	s23 =	sadd.s32 s5, s21  }
0x10: {  	s24 =	sor.u32 $0x10, s21;
	s25 =	sadd.s32 s6, s21;
	[dreg:$0x6] =	wrdreg s23  }
0x11: {  	s20 =	simm.s32 $0x4;
	[dreg:$0x7] =	wrdreg s25;
	s26 =	sadd.s32 s5, s24  }
0x12: {  	s0 =	sor.u32 $0x20, s21;
	s1 =	sadd.s32 s6, s24;
	[dreg:$0x8] =	wrdreg s26  }
0x13: {  	s9 =	sadd.s32 s9, s2;
	s28 =	sadd.s32 s5, s0;
	[dreg:$0x9] =	wrdreg s1  }
0x14: {  	s19 =	sshrl.u32 s9, $0x3;
	s0 =	sadd.s32 s6, s0;
	[dreg:$0xa] =	wrdreg s28  }
0x15: {  	s22 =	simm.s32 $0x80;
	[dreg:$0xb] =	wrdreg s0;
	s26 =	simm.s32 $0x1  }
.LBB2_1:
0x16: {  	s0 =	rddreg [dreg:$0x3]  }
0x17: {  	[spmem:s19], [sflag:s10] =	dma.local [hbm:s0], $0x2780  }
0x18: {  	_ =	swait.ge [sflag:s20], $0x2780  }
0x19: {  	[sflag:s20] =	ssyncset.done $0x0  }
0x1a: {  	[sflag:s20] =	ssyncadd.s32 $0xFFFFD880  }
0x1b: {  	[bflag:$0x0] =	sbarrier.arrive $0xFFFF  }
0x1c: {  	s24 =	rddreg [dreg:$0x6]  }
0x1d: {  	[tilespmem:s3], [sflag:$0x1] =	stream.linear.gather [hbm4b:s24+s3], $0x80, $0x38;
	[tilespmem:$0x1FCC0] =	vst v63  }
0x1e: {  	s1 =	simm.s32 $0x200;
	s25 =	rddreg [dreg:$0x7]  }
0x1f: {  	[tilespmem:s1], [sflag:$0x1] =	stream.linear.gather [hbm4b:s25+s3], $0x80, $0x38;
	[tilespmem:$0x1FCC0] =	vst v63  }
0x20: {  	s1 =	rddreg [dreg:$0x8]  }
0x21: {  	[tilespmem:s22], [sflag:$0x1] =	stream.linear.gather [hbm4b:s1+s3], $0x80, $0x38;
	[tilespmem:$0x1FCC0] =	vst v63  }
0x22: {  	s11 =	simm.s32 $0x280;
	s9 =	rddreg [dreg:$0x9]  }
0x23: {  	[tilespmem:s11], [sflag:$0x1] =	stream.linear.gather [hbm4b:s9+s3], $0x80, $0x38;
	[tilespmem:$0x1FCC0] =	vst v63  }
0x24: {  	s13 =	simm.s32 $0x100;
	s12 =	rddreg [dreg:$0xa]  }
0x25: {  	[tilespmem:s13], [sflag:$0x1] =	stream.linear.gather [hbm4b:s12+s3], $0x80, $0x38;
	[tilespmem:$0x1FCC0] =	vst v63  }
0x26: {  	s15 =	simm.s32 $0x300;
	s14 =	rddreg [dreg:$0xb]  }
0x27: {  	[tilespmem:s15], [sflag:$0x1] =	stream.linear.gather [hbm4b:s14+s3], $0x80, $0x38;
	[tilespmem:$0x1FCC0] =	vst v63  }
0x28: {  	_ =	swait.ge [sflag:s26], $0x80  }
0x29: {  	[sflag:s26] =	ssyncset.done $0x0  }
0x2a: {  	[sflag:s26] =	ssyncadd.s32 $0xFFFFFF80  }
0x2b: {  	s16 =	simm.s32 $0x4400;
	_ =	swait.ge [sflag:s26], $0x80  }
0x2c: {  	p0 =	sle.u32 s7, $0x3;
	p1 =	por $0x1, $0x1;
	[sflag:s26] =	ssyncset.done $0x0  }
0x2d: {  	s17 =	smulhi.u32 $0xAAAAAAAB, s29;
	s0 =	simm.s32 $0x400;
	[sflag:s26] =	ssyncadd.s32 $0xFFFFFF80  }
0x2e: {  	[tilespmem:s0], [sflag:$0x2] =	stream.indirect.gather [hbm4b:s4+s22], $0x80, s3, s22, $0xb8;
	[tilespmem:$0x1FCC0] =	vst v63  }
0x2f: {  	s23 =	simm.s32 $0x4400;
	s28 =	smulhi.u32 $0xAAAAAAAB, s3;
	_ =	swait.ge [sflag:s26], $0x80  }
0x30: {  	s18 =	sand.u32 $0x600, s3;
	s21 =	simm.s32 @!p1 $0x3;
	[sflag:s26] =	ssyncset.done $0x0  }
0x31: {  	s28 =	sshrl.u32 s28, $0x1;
	s1 =	simm.s32 $0x180;
	[sflag:s26] =	ssyncadd.s32 $0xFFFFFF80  }
0x32: {  	s9 =	sand.u32 @!p0 $0x7FFFFC00, s1;
	s11 =	simm.s32 @!p0 $0x600;
	_ =	swait.ge [sflag:s26], $0x80  }
0x33: {  	s1 =	sand.u32 @!p0 $0x380, s1;
	s9 =	sadd.s32 @!p0 s8, s9;
	[sflag:s26] =	ssyncset.done $0x0  }
0x34: {  	s11 =	sand.u32 @!p0 $0x600, s11;
	s1 =	sor.u32 @!p0 s1, s9;
	[sflag:s26] =	ssyncadd.s32 $0xFFFFFF80  }
0x35: {  	[tilespmem:s16], [sflag:$0x2] =	stream.indirect.gather [hbm4b:s4+s22], $0x80, s22, s22, $0xb8;
	[tilespmem:$0x1FCC0] =	vst v63  }
0x36: {  	s9 =	sshrl.u32 @!p0 s11, $0x2;
	s1 =	sshrl.u32 @!p0 s1, $0x3;
	_ =	swait.ge @!p1 [sflag:s21], $0x4000  }
0x37: {  	s12 =	smul.u32 $0xFFFD0000, s28;
	s11 =	sadd.s32 @!p0 s5, s1;
	[sflag:s21] =	ssyncset.done @!p1 $0x0  }
0x38: {  	[sflag:s21] =	ssyncadd.s32 @!p1 $0xFFFFC000;
	s21 =	simm.s32 @!p0 $0x0;
	p1 =	sle.u32 s7, $0x2  }
0x39: {  	[tilespmem:s9], [sflag:$0x1] =	stream.linear.gather @!p0 [hbm4b:s11+s21], $0x80, $0x38;
	[tilespmem:$0x1FCC0] =	vst v63  }
0x3a: {  	s1 =	sadd.s32 @!p0 s6, s1;
	s9 =	sor.u32 @!p0 $0x200, s9;
	s11 =	simm.s32 @!p1 $0x1  }
0x3b: {  	[tilespmem:s9], [sflag:$0x1] =	stream.linear.gather @!p0 [hbm4b:s1+s21], $0x80, $0x38;
	[tilespmem:$0x1FCC0] =	vst v63  }
0x3c: {  	s28 =	simm.s32 $0xC400;
	s24 =	simm.s32 @!p1 $0x400;
	_ =	swait.ge @!p1 [sflag:s11], $0x80  }
0x3d: {  	s25 =	sand.u32 @!p1 $0x600, s24;
	s9 =	sshrl.u32 s17, $0x1;
	[sflag:s11] =	ssyncset.done @!p1 $0x0  }
0x3e: {  	s24 =	simm.s32 $0x200;
	s9 =	smul.u32 $0xFFFD0000, s9;
	[sflag:s11] =	ssyncadd.s32 @!p1 $0xFFFFFF80  }
0x3f: {  	p0 =	sne.s32 s7, $0x1;
	s25 =	sshrl.u32 @!p1 s25, $0x2;
	_ =	swait.ge @!p1 [sflag:s11], $0x80  }
.Ltmp0:
0x40: {  	s9 =	sshra.s32 s9, $0x2;
	[sflag:s11] =	ssyncset.done @!p1 $0x0;
	(pc) =	sbr.rel @!p0 .LBB2_3-.Ltmp0, $4  }
0x41: {  	s9 =	sadd.s32 $0x8400, s9;
	[sflag:s11] =	ssyncadd.s32 @!p1 $0xFFFFFF80;
	s11 =	simm.s32 @!p1 $0x80  }
0x42: {  	[tilespmem:s9], [sflag:$0x2] =	stream.indirect.gather @!p1 [hbm4b:s4+s11], $0x80, s25, s11, $0xb8;
	[tilespmem:$0x1FCC0] =	vst v63  }
0x43: {  	s1 =	simm.s32 $0x1;
	s21 =	simm.s32 $0x200;
	s25 =	simm.s32 $0x3  }
0x44: {  	s9 =	sshra.s32 s12, $0x2;
	s11 =	sshrl.u32 s18, $0x2;
	_ =	swait.ge [sflag:s29], $0x4000  }
.LBB2_2:
0x45: {  	s0 =	sadd.s32 s9, s0;
	[sflag:s29] =	ssyncset.done $0x0;
	s9 =	sor.u32 $0x200, s11  }
0x46: {  	s11 =	smov.u32 s1;
	s1 =	sadd.s32 $0x1, s1;
	[sflag:s29] =	ssyncadd.s32 $0xFFFFC000  }
0x47: {  	[spmem:s2] =	stream.indirect.scatter.add.f32 [tilespmem:s0], [sflag:$0x3], $0x80, s9, s22, $0xb8;
	[tilespmem:$0x1FCC0] =	vst v63  }
0x48: {  	s12 =	smov.u32 s21;
	p0 =	sne.s32 s1, s7;
	s0 =	smov.u32 s23  }
0x49: {  	s13 =	smov.u32 s24;
	s9 =	smov.u32 s28  }
0x4a: {  	s21 =	sadd.s32 $0x80, s21;
	s14 =	sadd.s32 $0x3, s11  }
0x4b: {  	p2 =	seq.s32 s24, $0x0;
	p1 =	sge.u32 s14, s7;
	s23 =	sadd.s32 $0x4000, s23  }
0x4c: {  	s16 =	simm.s32 @!p2 $0x3;
	s14 =	sand.u32 @!p1 $0x7FFFFC00, s12;
	s15 =	sadd.s32 @!p1 $0x600, s24  }
0x4d: {  	s12 =	sand.u32 @!p1 $0x380, s12;
	s14 =	sadd.s32 @!p1 s8, s14;
	s15 =	sand.u32 @!p1 $0x600, s15  }
0x4e: {  	s18 =	sadd.s32 $0x2, s11;
	s12 =	sor.u32 @!p1 s12, s14;
	s14 =	sshrl.u32 @!p1 s15, $0x2  }
0x4f: {  	s12 =	sshrl.u32 @!p1 s12, $0x3;
	s15 =	sor.u32 @!p1 $0x200, s14;
	_ =	swait.ge @!p2 [sflag:s16], $0x4000  }
0x50: {  	s17 =	sadd.s32 @!p1 s5, s12;
	s12 =	sadd.s32 @!p1 s6, s12;
	[sflag:s16] =	ssyncset.done @!p2 $0x0  }
0x51: {  	s11 =	smulhi.u32 $0xAAAAAAAB, s11;
	[sflag:s16] =	ssyncadd.s32 @!p2 $0xFFFFC000;
	s16 =	simm.s32 @!p1 $0x0  }
0x52: {  	[tilespmem:s14], [sflag:$0x1] =	stream.linear.gather @!p1 [hbm4b:s17+s16], $0x80, $0x38;
	[tilespmem:$0x1FCC0] =	vst v63  }
0x53: {  	s24 =	sadd.s32 $0x200, s24;
	p2 =	sge.u32 s18, s7;
	s14 =	smulhi.u32 $0xAAAAAAAB, s25  }
0x54: {  	[tilespmem:s15], [sflag:$0x1] =	stream.linear.gather @!p1 [hbm4b:s12+s16], $0x80, $0x38;
	[tilespmem:$0x1FCC0] =	vst v63  }
0x55: {  	s12 =	sshrl.u32 s14, $0x1;
	s14 =	simm.s32 @!p2 $0x1;
	s15 =	sadd.s32 @!p2 $0x400, s13  }
0x56: {  	s12 =	smul.u32 $0xFFFD0000, s12;
	s15 =	sand.u32 @!p2 $0x600, s15;
	_ =	swait.ge @!p2 [sflag:s14], $0x80  }
0x57: {  	s25 =	sadd.s32 $0x1, s25;
	s15 =	sshrl.u32 @!p2 s15, $0x2;
	[sflag:s14] =	ssyncset.done @!p2 $0x0  }
0x58: {  	s28 =	sadd.s32 $0x4000, s28;
	s12 =	sshra.s32 s12, $0x2;
	[sflag:s14] =	ssyncadd.s32 @!p2 $0xFFFFFF80  }
.Ltmp1:
0x59: {  	s13 =	sand.u32 $0x600, s13;
	_ =	swait.ge @!p2 [sflag:s14], $0x80;
	(pc) =	sbr.rel @p0 .LBB2_2-.Ltmp1, $4  }
0x5a: {  	s11 =	sshrl.u32 s11, $0x1;
	s16 =	simm.s32 @!p2 $0x80;
	[sflag:s14] =	ssyncset.done @!p2 $0x0  }
0x5b: {  	s11 =	smul.u32 $0xFFFD0000, s11;
	s9 =	sadd.s32 s12, s9;
	[sflag:s14] =	ssyncadd.s32 @!p2 $0xFFFFFF80  }
0x5c: {  	[tilespmem:s9], [sflag:$0x2] =	stream.indirect.gather @!p2 [hbm4b:s4+s16], $0x80, s15, s16, $0xb8;
	[tilespmem:$0x1FCC0] =	vst v63  }
0x5d: {  	s9 =	sshra.s32 s11, $0x2;
	s11 =	sshrl.u32 s13, $0x2;
	_ =	swait.ge [sflag:s29], $0x4000  }
.LBB2_3:
0x5e: {  	[sflag:s29] =	ssyncset.done $0x0  }
0x5f: {  	s0 =	sadd.s32 s9, s0;
	s1 =	sor.u32 $0x200, s11;
	[sflag:s29] =	ssyncadd.s32 $0xFFFFC000  }
0x60: {  	[spmem:s2] =	stream.indirect.scatter.add.f32 [tilespmem:s0], [sflag:$0x3], $0x80, s1, s22, $0xb8;
	[tilespmem:$0x1FCC0] =	vst v63  }
0x61: {  	_ =	swait.ge [sflag:s30], $0x4000  }
0x62: {  	[sflag:s30] =	ssyncset.done $0x0  }
0x63: {  	[sflag:s30] =	ssyncadd.s32 $0xFFFFC000  }
0x64: {  	[bflag:$0x0] =	sbarrier.arrive $0xFFFF  }
0x65: {  	s25 =	rddreg [dreg:$0x4]  }
0x66: {  	[hbm:s25], [sflag:s10] =	dma.local [spmem:s19], $0x2780  }
0x67: {  	_ =	swait.ge [sflag:s20], $0x2780  }
0x68: {  	s31 =	sadd.s32 $0x1, s31;
	s28 =	rddreg [dreg:$0x5]  }
0x69: {  	p0 =	sne.s32 s31, s28  }
.Ltmp2:
0x6a: {  	_ = 	snop;
	(pc) =	sbr.rel @p0 .LBB2_1-.Ltmp2, $3  }
0x6b: {  	_ =	sdelay $0x1  }
0x6c: {  	[sflag:s20] =	ssyncset.done $0x0  }
0x6d: {  	[sflag:s20] =	ssyncadd.s32 $0xFFFFD880  }
0x6e: {  	_ =	sfence.sel $0x180000  }
0x6f: {  	[bflag:$0x0] =	sbarrier.arrive $0xFFFF  }
0x70: {  	_ =	strace $0x9000004D  }
0x71: {  	s0 =	stileid.u32;
	[bflag:$0x2] =	sbarrier.arrive $0xFFFF  }
0x72: {  	p0 =	sne.s32 s0, $0x0;
	s0 =	rddreg [dreg:$0x2]  }
0x73: {  	s0 =	sadd.s32 @!p0 $0x100000, s0  }
0x74: {  	[sflag:s0] =	ssyncadd.tile.s32 @!p0 $0x1;
	_ =	shalt  }
.Lfunc_end2:
_tile_overlayer_lowered:
.L_overlay_start_2:
0x75: {  	(tag) =	ssettag $0x2  }
0x76: {  	s0 =	rddreg [dreg:$0x0];
	s2 =	stileid.u32  }
0x77: {  	s1 =	rddreg [dreg:$0x1];
	p0 =	sne.s32 s2, $0x0  }
0x78: {  	s3 =	rddreg [dreg:$0x2];
	[bflag:$0x3] =	sbarrier.arrive $0xFFFF;
	s2 =	simm.s32 @!p0 $0x1C04  }
0x79: {  	[timem:s3], [sflag:s2] =	dma.local @!p0 [hbm:s0], s1  }
0x7a: {  	s0 =	simm.s32 @!p0 $0x4  }
0x7b: {  	_ =	swait.ge @!p0 [sflag:s0], s1  }
0x7c: {  	s1 =	ssub.s32 @!p0 $0x0, s1;
	[sflag:s0] =	ssyncset.done @!p0 $0x0  }
0x7d: {  	[sflag:s0] =	ssyncadd.s32 @!p0 s1  }
0x7e: {  	[bflag:$0x3] =	sbarrier.arrive $0xFFFF  }
0x7f: {  	_ =	shalt  }

// kernel: kernel.7.cloned.1.call-start
scs
__scs_entry_jumppad:
0x0: {  	(pc) =	sbr.rel $0x88, $3  }
0x1: {  	(tag) =	ssettag $0x0;
	lr =	simm.s32 $0x1  }
0x2: {  	[smem:$0x3F97] =	sst lr;
	_ =	strace $0xD0000000  }
0x3: {  	_ = 	snop  }
0x4: {  	_ = 	snop  }
0x5: {  	_ = 	snop  }
0x6: {  	_ = 	snop  }
0x7: {  	_ = 	snop  }
__scs_overlays_trampoline_lowered:
0x8: {  	[smem:$0x3FA6] =	sst s0  }
0x9: {  	[smem:$0x3FA7] =	sst s1  }
0xa: {  	[smem:$0x3FA8] =	sst s2  }
0xb: {  	[smem:$0x3FA9] =	sst s3  }
0xc: {  	[smem:$0x3FAA] =	sst s4  }
0xd: {  	[smem:$0x3FAB] =	sst s5  }
0xe: {  	[smem:$0x3FAC] =	sst s6  }
0xf: {  	[smem:$0x3FAD] =	sst s7  }
0x10: {  	[smem:$0x3FAE] =	sst s8  }
0x11: {  	[smem:$0x3FAF] =	sst s9;
	s0 =	simm.s32 @!p0 $0x0  }
0x12: {  	s1 =	sld [smem:$0x3F95];
	s0 =	simm.s32 @p0 $0x1  }
0x13: {  	[smem:$0x3FB0] =	sst s0;
	s0 =	simm.s32 @!p1 $0x0  }
0x14: {  	s2 =	sld [smem:$0x3F94];
	s0 =	simm.s32 @p1 $0x1  }
0x15: {  	[smem:$0x3FB1] =	sst s0;
	s0 =	simm.s32 @!p2 $0x0  }
0x16: {  	s3 =	sld [smem:$0x3FDB];
	s0 =	simm.s32 @p2 $0x1  }
0x17: {  	s4 =	simm.s32 $0x1BF5;
	[smem:$0x3FB3] =	sst s0  }
0x18: {  	s0 =	sld [smem:$0x3F96];
	_ =	swait.ge [sflag:s4], $0x0  }
0x19: {  	s7 =	sld [smem:$0x3F97]  }
0x1a: {  	s8 =	sadd.s32 $0xFFFFE003, lr  }
0x1b: {  	s9 =	sadd.s32 $0xFFFFFEF7, lr;
	s5 =	simm.s32 $0xFFFFFFFF;
	p2 =	slt.u32 s8, $0xFFFFF086  }
0x1c: {  	p1 =	slt.u32 s9, $0xF7A;
	s5 =	simm.s32 @!p2 $0x0  }
0x1d: {  	s5 =	simm.s32 @p1 $0x1;
	p0 =	seq.s32 s7, s2  }
0x1e: {  	s7 =	smul.u32 @!p0 $0xF7A, s2;
	p2 =	seq.s32 @!p0 s5, $0x0  }
0x1f: {  	s9 =	smul.u32 $0xF7A, s1;
	s8 =	simm.s32 @!p0 $0x1BF5;
	p2 =	por !p2, p0  }
0x20: {  	[sflag:s8] =	ssyncset.s32 @!p0 $0xFFFFF086;
	s6 =	sadd.s32 @!p0 s3, s7;
	s7 =	simm.s32 @!p0 $0x108  }
0x21: {  	s3 =	sadd.s32 s3, s9;
	s6 =	sadd.s32 @!p0 $0x88, s6;
	s7 =	simm.s32 @p2 $0x1082  }
0x22: {  	[simem:s7], [sflag:s8] =	dma.local @!p0 [hbm:s6], $0xF7A  }
0x23: {  	s9 =	sor.u32 $0xD0000000, s2;
	s6 =	simm.s32 $0x108;
	_ =	swait.ge @!p0 [sflag:s8], $0x0  }
0x24: {  	s3 =	sadd.s32 $0x88, s3;
	s6 =	simm.s32 @!p1 $0x1082;
	[sflag:s4] =	ssyncset.s32 $0xFFFFF086  }
0x25: {  	[simem:s6], [sflag:s4] =	dma.local [hbm:s3], $0xF7A  }
0x26: {  	[smem:$0x3F97] =	sst s1;
	(tag) =	ssettag s2;
	_ =	strace s9  }
0x27: {  	s1 =	sld [smem:$0x3FA7]  }
0x28: {  	s2 =	sld [smem:$0x3FA8]  }
0x29: {  	s4 =	sld [smem:$0x3FAA]  }
0x2a: {  	p0 =	seq.s32 s5, $0x0;
	s5 =	sld [smem:$0x3FAB]  }
0x2b: {  	s6 =	sld [smem:$0x3FAC]  }
0x2c: {  	s7 =	sld [smem:$0x3FAD]  }
0x2d: {  	s3 =	simm.s32 $0x108;
	s8 =	sld [smem:$0x3FAE]  }
0x2e: {  	s3 =	simm.s32 @!p0 $0x1082;
	s9 =	sld [smem:$0x3FAF]  }
0x2f: {  	lr =	sadd.s32 s0, s3;
	s0 =	sld [smem:$0x3FA6]  }
0x30: {  	s3 =	sld [smem:$0x3FA9]  }
0x31: {  	[smem:$0x3FB2] =	sst s10  }
0x32: {  	s10 =	sld [smem:$0x3FB0];
	_ =	sdelay $0x3  }
0x33: {  	p0 =	seq.s32 s10, $0x1;
	s10 =	sld [smem:$0x3FB2];
	_ =	sdelay $0x3  }
0x34: {  	[smem:$0x3FB2] =	sst s10  }
0x35: {  	s10 =	sld [smem:$0x3FB1];
	_ =	sdelay $0x3  }
0x36: {  	p1 =	seq.s32 s10, $0x1;
	s10 =	sld [smem:$0x3FB2];
	_ =	sdelay $0x3  }
0x37: {  	[smem:$0x3FB2] =	sst s10  }
0x38: {  	s10 =	sld [smem:$0x3FB3]  }
0x39: {  	_ = 	snop;
	(pc) =	sbr.ind lr, $3  }
0x3a: {  	_ = 	snop  }
0x3b: {  	_ = 	snop  }
0x3c: {  	p2 =	seq.s32 s10, $0x1;
	s10 =	sld [smem:$0x3FB2]  }
0x3d: {  	_ =	shalt  }
0x3e: {  	_ =	shalt  }
0x3f: {  	_ =	shalt  }
0x40: {  	_ =	shalt  }
0x41: {  	_ =	shalt  }
0x42: {  	_ =	shalt  }
0x43: {  	_ =	shalt  }
0x44: {  	_ =	shalt  }
0x45: {  	_ =	shalt  }
0x46: {  	_ =	shalt  }
0x47: {  	_ =	shalt  }
0x48: {  	_ =	shalt  }
0x49: {  	_ =	shalt  }
0x4a: {  	_ =	shalt  }
0x4b: {  	_ =	shalt  }
0x4c: {  	_ =	shalt  }
0x4d: {  	_ =	shalt  }
0x4e: {  	_ =	shalt  }
0x4f: {  	_ =	shalt  }
0x50: {  	_ =	shalt  }
0x51: {  	_ =	shalt  }
0x52: {  	_ =	shalt  }
0x53: {  	_ =	shalt  }
0x54: {  	_ =	shalt  }
0x55: {  	_ =	shalt  }
0x56: {  	_ =	shalt  }
0x57: {  	_ =	shalt  }
0x58: {  	_ =	shalt  }
0x59: {  	_ =	shalt  }
0x5a: {  	_ =	shalt  }
0x5b: {  	_ =	shalt  }
0x5c: {  	_ =	shalt  }
0x5d: {  	_ =	shalt  }
0x5e: {  	_ =	shalt  }
0x5f: {  	_ =	shalt  }
0x60: {  	_ =	shalt  }
0x61: {  	_ =	shalt  }
0x62: {  	_ =	shalt  }
0x63: {  	_ =	shalt  }
0x64: {  	_ =	shalt  }
0x65: {  	_ =	shalt  }
0x66: {  	_ =	shalt  }
0x67: {  	_ =	shalt  }
0x68: {  	_ =	shalt  }
0x69: {  	_ =	shalt  }
0x6a: {  	_ =	shalt  }
0x6b: {  	_ =	shalt  }
0x6c: {  	_ =	shalt  }
0x6d: {  	_ =	shalt  }
0x6e: {  	_ =	shalt  }
0x6f: {  	_ =	shalt  }
0x70: {  	_ =	shalt  }
0x71: {  	_ =	shalt  }
0x72: {  	_ =	shalt  }
0x73: {  	_ =	shalt  }
0x74: {  	_ =	shalt  }
0x75: {  	_ =	shalt  }
0x76: {  	_ =	shalt  }
0x77: {  	_ =	shalt  }
0x78: {  	_ =	shalt  }
0x79: {  	_ =	shalt  }
0x7a: {  	_ =	shalt  }
0x7b: {  	_ =	shalt  }
0x7c: {  	_ =	shalt  }
0x7d: {  	_ =	shalt  }
0x7e: {  	_ =	shalt  }
0x7f: {  	_ =	shalt  }
0x80: {  	_ =	shalt  }
0x81: {  	_ =	shalt  }
0x82: {  	_ =	shalt  }
0x83: {  	_ =	shalt  }
0x84: {  	_ =	shalt  }
0x85: {  	_ =	shalt  }
0x86: {  	_ =	shalt  }
0x87: {  	_ =	shalt  }
.Lfunc_end0:
.L_simem_size_0:
called_computation_lowered:
.L_overlay_start_0:
0x88: {  	s2 =	sld [smem:$0x3FD9]  }
0x89: {  	s3 =	sld [smem:$0x3FFE];
	_ =	sdelay $0x1  }
0x8a: {  	s1 =	srdreg.scid  }
0x8b: {  	s0 =	sand.u32 $0x1, s1  }
0x8c: {  	s17 =	sshll.u32 s0, $0xA;
	s2 =	sadd.s32 s3, s2  }
0x8d: {  	s2 =	sadd.s32 s2, s17  }
0x8e: {  	[smem:$0x3FBE] =	sst s2  }
0x8f: {  	_ = 	snop  }
0x90: {  	(tm) =	ssettm $0x1  }
0x91: {  	s18 =	sld [smem:$0x3FFB];
	_ =	sdelay $0x3  }
0x92: {  	_ =	strace s18  }
0x93: {  	s2 =	sld [smem:$0x3FFC];
	_ =	sdelay $0x3  }
0x94: {  	_ =	strace s2  }
0x95: {  	s2 =	sld [smem:$0x3FFD];
	_ =	sdelay $0x3  }
0x96: {  	_ =	strace s2  }
0x97: {  	_ =	strace $0x8FFFFFFF  }
0x98: {  	s19 =	sld [smem:$0x3FDB];
	_ =	sdelay $0x1  }
0x99: {  	s20 =	simm.s32 $_scs_section_size  }
0x9a: {  	s4 =	simm.s32 $_size__tile_overlayer_lowered;
	s5 =	simm.s32 $_tile_overlayer_lowered  }
0x9b: {  	s6 =	simm.s32 $0x1BFF;
	s21 =	sshll.u32 s5, $0x1;
	s3 =	sadd.s32 s20, s19  }
0x9c: {  	s22 =	simm.s32 $0x0;
	s4 =	sshll.u32 s4, $0x1;
	s5 =	sadd.s32 s21, s3  }
0x9d: {  	[timem:s22], [sflag:s6] =	dma.local [hbm:s5], s4  }
0x9e: {  	_ =	swait.ge [sflag:s6], s4  }
0x9f: {  	s4 =	ssub.s32 $0x0, s4;
	[sflag:s6] =	ssyncset.done $0x0  }
0xa0: {  	[sflag:s6] =	ssyncadd.s32 s4;
	_ =	sdelay $0x1  }
0xa1: {  	s23 =	simm.s32 $0x1B8B  }
0xa2: {  	_ =	swait.ge [sflag:s23], $0x1  }
0xa3: {  	[sflag:s23] =	ssyncset.done $0x0  }
0xa4: {  	[sflag:s23] =	ssyncadd.s32 $0xFFFFFFFF  }
0xa5: {  	s4 =	sld [smem:$0x0]  }
0xa6: {  	s5 =	sand.u32 $0xFFFFFFFE, s1  }
0xa7: {  	p0 =	sne.s32 s1, s5  }
0xa8: {  	s5 =	sshll.u32 @p0 s5, $0xE  }
0xa9: {  	s5 =	sadd.s32 @p0 $0x11B8D, s5;
	s6 =	sshll.u32 @p0 s4, $0x11  }
0xaa: {  	s5 =	sor.u32 @p0 s6, s5  }
0xab: {  	[sflag:s5] =	ssyncadd.remote.s32 @p0 $0x1;
	_ =	sdelay $0x1  }
0xac: {  	s5 =	simm.s32 @p0 $0x1B8D  }
0xad: {  	_ =	swait.eq @p0 [sflag:s5], $0x1  }
0xae: {  	[sflag:s5] =	ssyncadd.s32 @p0 $0xFFFFFFFF  }
0xaf: {  	s6 =	sshll.u32 @!p0 s1, $0xE  }
0xb0: {  	s6 =	sor.u32 @!p0 $0x4000, s6;
	s5 =	simm.s32 @!p0 $0x1B8D  }
0xb1: {  	s4 =	sshll.u32 @!p0 s4, $0x11;
	s6 =	sadd.s32 @!p0 $0x11B8D, s6;
	_ =	swait.eq @!p0 [sflag:s5], $0x1  }
0xb2: {  	s4 =	sor.u32 @!p0 s4, s6;
	[sflag:s5] =	ssyncadd.s32 @!p0 $0xFFFFFFFF  }
0xb3: {  	s25 =	simm.s32 $0x1B8E;
	s24 =	sld [smem:$0x3FFE];
	[sflag:s4] =	ssyncadd.remote.s32 @!p0 $0x1  }
0xb4: {  	s26 =	simm.s32 $execute0_lowered;
	[smem:$0x3FD2] =	sst s25  }
0xb5: {  	s5 =	sshll.u32 s26, $0x1;
	_ =	strace $0x80000049;
	[dreg:$0x1] =	wrdreg $0xFFFFFFFF  }
0xb6: {  	s28 =	simm.s32 $_size_execute0_lowered;
	s3 =	sadd.s32 s3, s5;
	[dreg:$0x0] =	wrdreg $0x0  }
0xb7: {  	s5 =	sshll.u32 s28, $0x1;
	[dreg:$0x2] =	wrdreg s3  }
0xb8: {  	[dreg:$0x3] =	wrdreg s5  }
0xb9: {  	[dreg:$0x4] =	wrdreg $0xC0  }
0xba: {  	_ =	task [dreg:s22], $0x5FFFF  }
0xbb: {  	[dreg:$0x1] =	wrdreg $0xFFFFFFFF  }
0xbc: {  	[dreg:$0x0] =	wrdreg $0x60  }
0xbd: {  	[dreg:$0x2] =	wrdreg s24  }
0xbe: {  	[dreg:$0x3] =	wrdreg $0x68000  }
0xbf: {  	[dreg:$0x4] =	wrdreg $0x9  }
0xc0: {  	_ =	task.clear_ibuf [dreg:s22], $0x5FFFF;
	_ =	strace $0x90000049  }
0xc1: {  	s29 =	simm.s32 $0x9;
	_ =	strace $0x8000004B  }
0xc2: {  	_ =	swait.ge [sflag:s29], $0x1  }
0xc3: {  	[sflag:s29] =	ssyncadd.s32 $0xFFFFFFFF  }
0xc4: {  	_ =	strace $0x9000004B  }
0xc5: {  	_ =	sfence  }
0xc6: {  	s30 =	sld [smem:$0x0];
	_ =	sdelay $0x2  }
0xc7: {  	s31 =	sshll.u32 s1, $0xD;
	s1 =	sshrl.u32 s1, $0x2  }
0xc8: {  	s4 =	sand.u32 $0x4000, s31;
	s1 =	sadd.s32 s1, s30  }
0xc9: {  	s0 =	sor.u32 s4, s0;
	s1 =	sshll.u32 s1, $0x11  }
0xca: {  	s0 =	sor.u32 s1, s0  }
0xcb: {  	s0 =	sadd.s32 $0x8F2B, s0  }
0xcc: {  	[sflag:s0] =	ssyncadd.remote.s32 $0x1  }
0xcd: {  	_ =	sfence.sel $0xFFFF  }
0xce: {  	[dreg:$0x0] =	wrdreg $0xFFFFFFFF;
	(pc) =	sbr.abs _section_cstart, $3  }
0xcf: {  	[dreg:$0x1] =	wrdreg $0xFFFFFFFF  }
0xd0: {  	_ =	task.clear_ibuf [dreg:s22], $0x2FFFF;
	_ =	strace $0x9FFFFFFF  }
0xd1: {  	(tm) =	ssettm $0x7FFFFFFF  }
tec
execute0_lowered:
.L_overlay_start_1:
0x0: {  	(tag) =	ssettag $0x1  }
0x1: {  	s5 =	rddreg [dreg:$0x0]  }
0x2: {  	s2 =	rddreg [dreg:$0x1]  }
0x3: {  	s0 =	rddreg [dreg:$0x2]  }
0x4: {  	s4 =	srdreg.scid;
	s1 =	stileid.u32;
	s3 =	simm.s32 $0x0  }
0x5: {  	s13 =	simm.s32 $0x80;
	s14 =	simm.s32 $0x1;
	s15 =	simm.s32 $0x0  }
0x6: {  	s4 =	sand.u32 $0x1, s4;
	s6 =	sshll.u32 s1, $0x1;
	[smem:$0x7FF] =	sst s3  }
0x7: {  	s7 =	smul.u32 $0x278, s1;
	s31 =	sshll.u32 s1, $0x6;
	s6 =	sor.u32 s4, s6  }
0x8: {  	_ =	strace $0x8000004A;
	s8 =	smul.u32 $0x138C00, s4;
	s10 =	ssub.s32 $0x2, s4  }
0x9: {  	s4 =	sadd.s32 $0x9D200, s5;
	s6 =	smul.u32 $0x500, s6;
	s7 =	smin.u32 s7, $0x24A0  }
0xa: {  	s11 =	sshrl.u32 s10, $0x1;
	s30 =	sshll.u32 s7, $0x4;
	s7 =	sshll.u32 s7, $0x7  }
0xb: {  	s10 =	ssub.s32 s10, s11;
	s11 =	simm.s32 $0x2;
	s9 =	sadd.s32 s6, s5  }
0xc: {  	s6 =	sadd.s32 s30, s5;
	s8 =	sadd.s32 s8, s7;
	s12 =	sadd.s32 s7, s2  }
0xd: {  	s8 =	sshrl.u32 s8, $0x3;
	s7 =	sadd.s32 $0x93200, s9;
	s9 =	smax.u32 s10, $0x1  }
0xe: {  	s10 =	sshrl.u32 s12, $0x3;
	s12 =	simm.s32 $0x2800;
	s8 =	sadd.s32 s8, s5  }
0xf: {  	s5 =	sadd.s32 $0x1DC00, s6;
	s6 =	sor.u32 $0x1C02, s31;
	s8 =	sadd.s32 $0x9DA00, s8  }
.LBB2_1:
0x10: {  	[spmem:s10], [sflag:s6] =	dma.local [hbm:s5], $0x2780  }
0x11: {  	_ =	swait.ge [sflag:s11], $0x2780  }
0x12: {  	[sflag:s11] =	ssyncset.done $0x0  }
0x13: {  	[sflag:s11] =	ssyncadd.s32 $0xFFFFD880  }
0x14: {  	[tilespmem:s3], [sflag:$0x2] =	stream.linear.gather [hbm4b:s7+s3], $0x2780, $0x38;
	[tilespmem:$0x1A0C0] =	vst v63  }
0x15: {  	_ =	swait.ge [sflag:s11], $0x2780  }
0x16: {  	[sflag:s11] =	ssyncset.done $0x0  }
0x17: {  	[sflag:s11] =	ssyncadd.s32 $0xFFFFD880  }
0x18: {  	[tilespmem:s12], [sflag:$0x2] =	stream.linear.gather [hbm4b:s4+s3], $0x4000, $0x38;
	[tilespmem:$0x1A0C0] =	vst v63  }
0x19: {  	_ =	swait.ge [sflag:s11], $0x4000  }
0x1a: {  	[sflag:s11] =	ssyncset.done $0x0  }
0x1b: {  	p0 =	por $0x1, $0x1;
	[sflag:s11] =	ssyncadd.s32 $0xFFFFC000  }
0x1c: {  	s17 =	simm.s32 @!p0 $0x1;
	[bflag:$0x0] =	sbarrier.arrive $0xFFFF  }
0x1d: {  	_ =	swait.ge @!p0 [sflag:s17], $0x4000  }
0x1e: {  	s16 =	simm.s32 $0x1;
	[sflag:s17] =	ssyncset.done @!p0 $0x0  }
0x1f: {  	s18 =	simm.s32 $0x0;
	[sflag:s17] =	ssyncadd.s32 @!p0 $0xFFFFC000;
	s17 =	simm.s32 $0x80  }
.LBB2_2:
0x20: {  	[spmem:s2] =	stream.indirect.scatter.add.f32 [tilespmem:s12], [sflag:$0x1], $0x80, s18, s13, $0xb8;
	[tilespmem:$0x1A0C0] =	vst v63  }
0x21: {  	p0 =	slt.u32 s16, $0x8;
	s16 =	sadd.s32 $0x1, s16  }
0x22: {  	p1 =	sne.s32 s16, $0x4F  }
.Ltmp0:
0x23: {  	(pc) =	sbr.rel @p1 .LBB2_2-.Ltmp0, $4  }
0x24: {  	s18 =	smov.u32 s17;
	s19 =	simm.s32 @!p0 $0x1  }
0x25: {  	_ =	swait.ge @!p0 [sflag:s19], $0x4000  }
0x26: {  	[sflag:s19] =	ssyncset.done @!p0 $0x0  }
0x27: {  	s17 =	sadd.s32 $0x80, s17;
	[sflag:s19] =	ssyncadd.s32 @!p0 $0xFFFFC000  }
0x28: {  	[spmem:s2] =	stream.indirect.scatter.add.f32 [tilespmem:s12], [sflag:$0x1], $0x80, s18, s13, $0xb8;
	[tilespmem:$0x1A0C0] =	vst v63  }
0x29: {  	_ =	swait.ge [sflag:s14], $0x4000  }
0x2a: {  	[sflag:s14] =	ssyncset.done $0x0  }
0x2b: {  	[sflag:s14] =	ssyncadd.s32 $0xFFFFC000  }
0x2c: {  	_ =	swait.ge [sflag:s14], $0x4000  }
0x2d: {  	[sflag:s14] =	ssyncset.done $0x0  }
0x2e: {  	[sflag:s14] =	ssyncadd.s32 $0xFFFFC000  }
0x2f: {  	_ =	swait.ge [sflag:s14], $0x4000  }
0x30: {  	[sflag:s14] =	ssyncset.done $0x0  }
0x31: {  	[sflag:s14] =	ssyncadd.s32 $0xFFFFC000  }
0x32: {  	_ =	swait.ge [sflag:s14], $0x4000  }
0x33: {  	[sflag:s14] =	ssyncset.done $0x0  }
0x34: {  	[sflag:s14] =	ssyncadd.s32 $0xFFFFC000  }
0x35: {  	_ =	swait.ge [sflag:s14], $0x4000  }
0x36: {  	[sflag:s14] =	ssyncset.done $0x0  }
0x37: {  	[sflag:s14] =	ssyncadd.s32 $0xFFFFC000  }
0x38: {  	_ =	swait.ge [sflag:s14], $0x4000  }
0x39: {  	[sflag:s14] =	ssyncset.done $0x0  }
0x3a: {  	[sflag:s14] =	ssyncadd.s32 $0xFFFFC000  }
0x3b: {  	_ =	swait.ge [sflag:s14], $0x4000  }
0x3c: {  	[sflag:s14] =	ssyncset.done $0x0  }
0x3d: {  	[sflag:s14] =	ssyncadd.s32 $0xFFFFC000  }
0x3e: {  	_ =	swait.ge [sflag:s14], $0x4000  }
0x3f: {  	s15 =	sadd.s32 $0x1, s15;
	[sflag:s14] =	ssyncset.done $0x0  }
0x40: {  	p0 =	sne.s32 s15, s9;
	[sflag:s14] =	ssyncadd.s32 $0xFFFFC000  }
.Ltmp1:
0x41: {  	[bflag:$0x0] =	sbarrier.arrive $0xFFFF;
	(pc) =	sbr.rel @p0 .LBB2_1-.Ltmp1, $4  }
0x42: {  	[hbm:s8], [sflag:s6] =	dma.local [spmem:s10], $0x2780  }
0x43: {  	_ =	swait.ge [sflag:s11], $0x2780  }
0x44: {  	[sflag:s11] =	ssyncset.done $0x0  }
0x45: {  	[sflag:s11] =	ssyncadd.s32 $0xFFFFD880  }
0x46: {  	_ =	sfence.sel $0x180000  }
0x47: {  	[bflag:$0x0] =	sbarrier.arrive $0xFFFF  }
0x48: {  	p0 =	sne.s32 s1, $0x0;
	_ =	strace $0x9000004A  }
0x49: {  	s0 =	sadd.s32 @!p0 $0x100000, s0;
	[bflag:$0x2] =	sbarrier.arrive $0xFFFF  }
0x4a: {  	[sflag:s0] =	ssyncadd.tile.s32 @!p0 $0x1;
	_ =	shalt  }
.Lfunc_end2:
_tile_overlayer_lowered:
.L_overlay_start_2:
0x4b: {  	(tag) =	ssettag $0x2  }
0x4c: {  	s0 =	rddreg [dreg:$0x0];
	s2 =	stileid.u32  }
0x4d: {  	s1 =	rddreg [dreg:$0x1];
	p0 =	sne.s32 s2, $0x0  }
0x4e: {  	s3 =	rddreg [dreg:$0x2];
	[bflag:$0x3] =	sbarrier.arrive $0xFFFF;
	s2 =	simm.s32 @!p0 $0x1C02  }
0x4f: {  	[timem:s3], [sflag:s2] =	dma.local @!p0 [hbm:s0], s1  }
0x50: {  	s0 =	simm.s32 @!p0 $0x2  }
0x51: {  	_ =	swait.ge @!p0 [sflag:s0], s1  }
0x52: {  	s1 =	ssub.s32 @!p0 $0x0, s1;
	[sflag:s0] =	ssyncset.done @!p0 $0x0  }
0x53: {  	[sflag:s0] =	ssyncadd.s32 @!p0 s1  }
0x54: {  	[bflag:$0x3] =	sbarrier.arrive $0xFFFF  }
0x55: {  	_ =	shalt  }

</sc_bundles>
